<compile_context>
chip_gen: v7x
topology: tpu7x:2x2x1
jax: 0.10.2.dev20260603
libtpu: 0.0.44.dev20260713+nightly
codegen_flags: <defaults>
</compile_context>

<pallas_src>
import functools

import jax
import jax.numpy as jnp
import numpy as np
from jax import lax
from jax.experimental import pallas as pl
from jax.experimental.pallas import tpu as pltpu
from jax.experimental.pallas import tpu_sc as plsc

NUM_FIELDS = 26
VOCAB = 100000
EMBED_DIM = 16
BATCH = 1024
FLAT_DIM = NUM_FIELDS * EMBED_DIM
PAIR_NUM = (NUM_FIELDS * (NUM_FIELDS - 1)) // 2
PAIR_PAD = 328
EXP_DIM = PAIR_PAD * EMBED_DIM
NCHUNK = EXP_DIM // 128

ROWS = BATCH * NUM_FIELDS
NW = 32
ROWS_PER_W = ROWS // NW
GCHUNK = 104
NG = ROWS_PER_W // GCHUNK


def _sc_gather_body(table_hbm, idx_hbm, out_hbm, idx_v, rows_v, sem):
    wid = lax.axis_index("s") * 2 + lax.axis_index("c")
    base = wid * ROWS_PER_W
    pltpu.sync_copy(idx_hbm.at[wid], idx_v)
    copies = []
    for g in range(NG):
        copies.append(
            pltpu.async_copy(
                table_hbm.at[idx_v.at[g]],
                rows_v.at[pl.ds(g * GCHUNK, GCHUNK)],
                sem,
            )
        )
    for cp in copies:
        cp.wait()
    pltpu.sync_copy(rows_v, out_hbm.at[pl.ds(base, ROWS_PER_W)])


def _sc_gather(table_flat, flat_idx):
    mesh = plsc.VectorSubcoreMesh(core_axis_name="c", subcore_axis_name="s")
    kern = functools.partial(
        pl.kernel,
        mesh=mesh,
        compiler_params=pltpu.CompilerParams(use_tc_tiling_on_sc=False),
        out_type=jax.ShapeDtypeStruct((ROWS, EMBED_DIM), jnp.float32),
        scratch_types=[
            pltpu.VMEM((NG, GCHUNK), jnp.int32),
            pltpu.VMEM((ROWS_PER_W, EMBED_DIM), jnp.float32),
            pltpu.SemaphoreType.DMA,
        ],
    )(_sc_gather_body)
    return kern(table_flat, flat_idx.reshape(NW, NG, GCHUNK))


def _tc_body(flat_ref, wbd_ref, w1a_ref, w1b_ref, w1c_ref, b1_ref,
             w2_ref, b2_ref, w3_ref, b3_ref, wout_ref, bout_ref, out_ref):
    bb = flat_ref.shape[0]
    flat = flat_ref[:]
    pad = jnp.zeros((bb, EXP_DIM - PAIR_NUM * EMBED_DIM), jnp.float32)
    q_parts = [flat[:, EMBED_DIM * (f + 1):] for f in range(NUM_FIELDS - 1)]
    q_parts.append(pad)
    q = jnp.concatenate(q_parts, axis=1)
    p_parts = []
    for f in range(NUM_FIELDS - 1):
        seg = flat[:, EMBED_DIM * f:EMBED_DIM * (f + 1)]
        p_parts.extend([seg] * (NUM_FIELDS - 1 - f))
    p_parts.append(pad)
    p = jnp.concatenate(p_parts, axis=1)

    t_parts = []
    for c in range(NCHUNK):
        t_parts.append(
            lax.dot_general(
                p[:, 128 * c:128 * (c + 1)], wbd_ref[c],
                (((1,), (0,)), ((), ())),
                preferred_element_type=jnp.float32,
            )
        )
    t = jnp.concatenate(t_parts, axis=1)

    u = p * q
    v = t * q

    mm = functools.partial(lax.dot_general, dimension_numbers=(((1,), (0,)), ((), ())),
                           preferred_element_type=jnp.float32)
    h = (mm(flat, w1a_ref[:]) + mm(u, w1b_ref[:]) + mm(v, w1c_ref[:])
         + b1_ref[:])
    h = jnp.maximum(h, 0.0)
    h = jnp.maximum(mm(h, w2_ref[:]) + b2_ref[:], 0.0)
    h = jnp.maximum(mm(h, w3_ref[:]) + b3_ref[:], 0.0)
    out_ref[:] = jax.nn.sigmoid(mm(h, wout_ref[:]) + bout_ref[:])


def _tc_forward(flat, wbd, w1a, w1b_exp, w1c_exp, b1, W2, b2, W3, b3, Wout, bout,
                block_b=256):
    nsteps = BATCH // block_b
    full = lambda shape: pl.BlockSpec(shape, lambda i: tuple(0 for _ in shape))
    return pl.pallas_call(
        _tc_body,
        grid=(nsteps,),
        in_specs=[
            pl.BlockSpec((block_b, FLAT_DIM), lambda i: (i, 0)),
            full((NCHUNK, 128, 128)),
            full((FLAT_DIM, 400)),
            full((EXP_DIM, 400)),
            full((EXP_DIM, 400)),
            full((1, 400)),
            full((400, 400)),
            full((1, 400)),
            full((400, 400)),
            full((1, 400)),
            full((400, 1)),
            full((1, 1)),
        ],
        out_specs=pl.BlockSpec((block_b, 1), lambda i: (i, 0)),
        out_shape=jax.ShapeDtypeStruct((BATCH, 1), jnp.float32),
    )(flat, wbd, w1a, w1b_exp, w1c_exp, b1.reshape(1, 400), W2,
      b2.reshape(1, 400), W3, b3.reshape(1, 400), Wout, bout.reshape(1, 1))


def _prep_weights(w_outer, W1):
    wt = jnp.transpose(w_outer, (1, 2, 0))
    wt = jnp.pad(wt, ((0, PAIR_PAD - PAIR_NUM), (0, 0), (0, 0)))
    blocks = wt.reshape(NCHUNK, 8, EMBED_DIM, EMBED_DIM)
    eye8 = jnp.eye(8, dtype=jnp.float32)
    wbd = (blocks[:, :, :, None, :] * eye8[None, :, None, :, None]).reshape(
        NCHUNK, 128, 128)
    w1a = W1[:FLAT_DIM]
    w1b = W1[FLAT_DIM:FLAT_DIM + PAIR_NUM]
    w1c = W1[FLAT_DIM + PAIR_NUM:]
    w1b_exp = jnp.pad(jnp.repeat(w1b, EMBED_DIM, axis=0),
                      ((0, EXP_DIM - PAIR_NUM * EMBED_DIM), (0, 0)))
    w1c_exp = jnp.pad(jnp.repeat(w1c, EMBED_DIM, axis=0),
                      ((0, EXP_DIM - PAIR_NUM * EMBED_DIM), (0, 0)))
    return wbd, w1a, w1b_exp, w1c_exp


def kernel(inputs, tables, w_outer, W1, b1, W2, b2, W3, b3, Wout, bout):
    sparse = inputs[:, 13:].astype(jnp.int32)
    flat_idx = (sparse + VOCAB * jnp.arange(NUM_FIELDS, dtype=jnp.int32)[None, :]
                ).reshape(ROWS)
    table_flat = tables.reshape(NUM_FIELDS * VOCAB, EMBED_DIM)
    rows = _sc_gather(table_flat, flat_idx)
    flat = rows.reshape(BATCH, FLAT_DIM)
    wbd, w1a, w1b_exp, w1c_exp = _prep_weights(w_outer, W1)
    return _tc_forward(flat, wbd, w1a, w1b_exp, w1c_exp,
                       b1, W2, b2, W3, b3, Wout, bout)

# --- scband reference (transcript-rebuilt; emitter-appended) ---
"""Pipeline reference for scband-pnn-28355374088260 (READ-ONLY COPY).

The authoritative reference and input builder live on the scoring server;
editing this copy changes nothing except your own understanding.
"""

import jax, jax.numpy as jnp
import numpy as np

NUM_FIELDS = 26
VOCAB = 100000
EMBED_DIM = 16
BATCH = 1024
HIDDEN = [400, 400, 400]
OUT_DIM = 1
PAIR_ROW, PAIR_COL = np.triu_indices(NUM_FIELDS, k=1)
PAIR_NUM = len(PAIR_ROW)
IN_DIM = NUM_FIELDS * EMBED_DIM + 2 * PAIR_NUM


def setup_inputs(seed: int = 0) -> dict:
    key = jax.random.key(seed)
    ks = jax.random.split(key, 12)
    inputs = jax.random.randint(ks[0], (BATCH, 39), 0, VOCAB, dtype=jnp.int64 if jax.config.jax_enable_x64 else jnp.int32)
    tables = jax.random.normal(ks[1], (NUM_FIELDS, VOCAB, EMBED_DIM), dtype=jnp.float32) * 0.05
    w_outer = jax.random.normal(ks[2], (EMBED_DIM, PAIR_NUM, EMBED_DIM), dtype=jnp.float32) * 0.05
    W1 = jax.random.normal(ks[3], (IN_DIM, HIDDEN[0]), dtype=jnp.float32) * 0.05
    b1 = jnp.zeros((HIDDEN[0],), dtype=jnp.float32)
    W2 = jax.random.normal(ks[4], (HIDDEN[0], HIDDEN[1]), dtype=jnp.float32) * 0.05
    b2 = jnp.zeros((HIDDEN[1],), dtype=jnp.float32)
    W3 = jax.random.normal(ks[5], (HIDDEN[1], HIDDEN[2]), dtype=jnp.float32) * 0.05
    b3 = jnp.zeros((HIDDEN[2],), dtype=jnp.float32)
    Wout = jax.random.normal(ks[6], (HIDDEN[2], OUT_DIM), dtype=jnp.float32) * 0.05
    bout = jnp.zeros((OUT_DIM,), dtype=jnp.float32)
    return {"inputs": inputs, "tables": tables, "w_outer": w_outer, "W1": W1, "b1": b1, "W2": W2, "b2": b2, "W3": W3, "b3": b3, "Wout": Wout, "bout": bout}


def reference(inputs, tables, w_outer, W1, b1, W2, b2, W3, b3, Wout, bout):
    # split: first 13 dense columns (unused by the model forward), last 26 sparse
    sparse = inputs[:, 13:]
    # per-field embedding lookup -> [B, 26, 16]
    embed = jax.vmap(lambda t, idx: jnp.take(t, idx, axis=0), in_axes=(0, 1), out_axes=1)(tables, sparse)
    row = jnp.asarray(PAIR_ROW)
    col = jnp.asarray(PAIR_COL)
    p = embed[:, row, :]  # [B, P, K]
    q = embed[:, col, :]  # [B, P, K]
    # InnerProductLayer
    inner = jnp.sum(p * q, axis=-1)  # [B, P]
    # OuterProductLayer: tmp[b,j,p] = sum_k p[b,p,k] * w[j,p,k]
    tmp = jnp.einsum('bpk,jpk->bjp', p, w_outer)  # [B, K, P]
    outer = jnp.sum(jnp.transpose(tmp, (0, 2, 1)) * q, axis=-1)  # [B, P]
    flat = embed.reshape(embed.shape[0], -1)  # [B, 26*16]
    x = jnp.concatenate([flat, inner, outer], axis=1)  # [B, IN_DIM]
    # DNN_layer (dropout is identity at inference)
    x = jax.nn.relu(x @ W1 + b1)
    x = jax.nn.relu(x @ W2 + b2)
    x = jax.nn.relu(x @ W3 + b3)
    out = jax.nn.sigmoid(x @ Wout + bout)
    return out

if __name__ == "__main__":
    import jax
    _d = setup_inputs()
    print(jax.jit(kernel)(*tuple(_d.values())))

</pallas_src>

<mosaic_0001>
#map = affine_map<(d0, d1) -> (0, 0)>
#map1 = affine_map<(d0, d1) -> (0, 0, 0)>
module attributes {stable_mosaic.version = 14 : i64} {
  func.func @_sc_gather_body(%arg0: i32, %arg1: i32, %arg2: memref<2600000x16xf32, #tpu.memory_space<hbm>>, %arg3: memref<32x8x104xi32, #tpu.memory_space<hbm>>, %arg4: memref<26624x16xf32, #tpu.memory_space<hbm>>, %arg5: memref<8x104xi32, #tpu.memory_space<vmem>>, %arg6: memref<832x16xf32, #tpu.memory_space<vmem>>, %arg7: memref<!tpu.dma_semaphore, #tpu.memory_space<semaphore_mem>>) attributes {dimension_semantics = [#tpu.dimension_semantics<core_parallel>, #tpu.dimension_semantics<subcore_parallel>], iteration_bounds = array<i64: 2, 16>, scalar_prefetch = 0 : i64, scratch_operands = 3 : i64, tpu.core_type = #tpu.core_type<sc_vector_subcore>, window_params = [{transform_indices = #map}, {transform_indices = #map1}, {transform_indices = #map}]} {
    %mul3A = arith.constant 2 : i32
    %mul3A_0 = arith.muli %arg1, %mul3A : i32
    %add3A = arith.addi %mul3A_0, %arg0 : i32
    %mul3A_1 = arith.constant 832 : i32
    %mul3A_2 = arith.muli %add3A, %mul3A_1 : i32
    "tpu.region"() ({
      %run_scoped3A = tpu.sem_alloc : memref<!tpu.dma_semaphore, #tpu.memory_space<semaphore_mem>>
      %dma_start3A_161 = arith.constant 0 : i32
      %dma_start3A_162 = arith.constant 0 : i32
      %dma_start3A_163 = tpu.memref_slice %arg3[%add3A, %dma_start3A_161, %dma_start3A_162] : memref<32x8x104xi32, #tpu.memory_space<hbm>> -> memref<1x8x104xi32, #tpu.memory_space<hbm>>
      %dma_start3A_164 = tpu.memref_squeeze %dma_start3A_163 : memref<1x8x104xi32, #tpu.memory_space<hbm>> -> memref<8x104xi32, #tpu.memory_space<hbm>>
      %dma_start3A_165 = arith.constant 0 : i32
      %dma_start3A_166 = arith.constant 0 : i32
      %dma_start3A_167 = tpu.memref_slice %arg3[%add3A, %dma_start3A_165, %dma_start3A_166] : memref<32x8x104xi32, #tpu.memory_space<hbm>> -> memref<1x8x104xi32, #tpu.memory_space<hbm>>
      %dma_start3A_168 = tpu.memref_squeeze %dma_start3A_167 : memref<1x8x104xi32, #tpu.memory_space<hbm>> -> memref<8x104xi32, #tpu.memory_space<hbm>>
      tpu.enqueue_dma source(%dma_start3A_168 : memref<8x104xi32, #tpu.memory_space<hbm>>) target(%arg5 : memref<8x104xi32, #tpu.memory_space<vmem>>) target_semaphore(%run_scoped3A : memref<!tpu.dma_semaphore, #tpu.memory_space<semaphore_mem>>)
      %dma_wait3A_169 = arith.constant 0 : i32
      %dma_wait3A_170 = arith.constant 0 : i32
      %dma_wait3A_171 = tpu.memref_slice %arg3[%add3A, %dma_wait3A_169, %dma_wait3A_170] : memref<32x8x104xi32, #tpu.memory_space<hbm>> -> memref<1x8x104xi32, #tpu.memory_space<hbm>>
      %dma_wait3A_172 = tpu.memref_squeeze %dma_wait3A_171 : memref<1x8x104xi32, #tpu.memory_space<hbm>> -> memref<8x104xi32, #tpu.memory_space<hbm>>
      %dma_wait3A_173 = arith.constant 0 : i32
      %dma_wait3A_174 = arith.constant 0 : i32
      %dma_wait3A_175 = tpu.memref_slice %arg3[%add3A, %dma_wait3A_173, %dma_wait3A_174] : memref<32x8x104xi32, #tpu.memory_space<hbm>> -> memref<1x8x104xi32, #tpu.memory_space<hbm>>
      %dma_wait3A_176 = tpu.memref_squeeze %dma_wait3A_175 : memref<1x8x104xi32, #tpu.memory_space<hbm>> -> memref<8x104xi32, #tpu.memory_space<hbm>>
      tpu.wait_dma2 semaphore(%run_scoped3A : memref<!tpu.dma_semaphore, #tpu.memory_space<semaphore_mem>>) src(%dma_wait3A_176 : memref<8x104xi32, #tpu.memory_space<hbm>>) dst(%arg5 : memref<8x104xi32, #tpu.memory_space<vmem>>)
      tpu.yield
    }) : () -> ()
    %dma_start3A = arith.constant 0 : i32
    %dma_start3A_3 = arith.constant 0 : i32
    %dma_start3A_4 = arith.constant 0 : i32
    %dma_start3A_5 = tpu.memref_slice %arg6[%dma_start3A_3, %dma_start3A_4] : memref<832x16xf32, #tpu.memory_space<vmem>> -> memref<104x16xf32, #tpu.memory_space<vmem>>
    %dma_start3A_6 = arith.constant 0 : i32
    %dma_start3A_7 = tpu.memref_slice %arg5[%dma_start3A, %dma_start3A_6] : memref<8x104xi32, #tpu.memory_space<vmem>> -> memref<1x104xi32, #tpu.memory_space<vmem>>
    %dma_start3A_8 = tpu.memref_squeeze %dma_start3A_7 : memref<1x104xi32, #tpu.memory_space<vmem>> -> memref<104xi32, #tpu.memory_space<vmem>>
    %dma_start3A_9 = arith.constant 0 : i32
    %dma_start3A_10 = arith.constant 0 : i32
    %dma_start3A_11 = tpu.memref_slice %arg2[%dma_start3A_9, %dma_start3A_10] : memref<2600000x16xf32, #tpu.memory_space<hbm>> -> memref<2600000x16xf32, #tpu.memory_space<hbm>>
    tpu.enqueue_indirect_dma source(%dma_start3A_11 : memref<2600000x16xf32, #tpu.memory_space<hbm>>) target(%dma_start3A_5 : memref<104x16xf32, #tpu.memory_space<vmem>>) offsets(%dma_start3A_8 : memref<104xi32, #tpu.memory_space<vmem>>) semaphore(%arg7 : memref<!tpu.dma_semaphore, #tpu.memory_space<semaphore_mem>>)
    %dma_start3A_12 = arith.constant 1 : i32
    %dma_start3A_13 = arith.constant 104 : i32
    %dma_start3A_14 = arith.constant 0 : i32
    %dma_start3A_15 = tpu.memref_slice %arg6[%dma_start3A_13, %dma_start3A_14] : memref<832x16xf32, #tpu.memory_space<vmem>> -> memref<104x16xf32, #tpu.memory_space<vmem>>
    %dma_start3A_16 = arith.constant 0 : i32
    %dma_start3A_17 = tpu.memref_slice %arg5[%dma_start3A_12, %dma_start3A_16] : memref<8x104xi32, #tpu.memory_space<vmem>> -> memref<1x104xi32, #tpu.memory_space<vmem>>
    %dma_start3A_18 = tpu.memref_squeeze %dma_start3A_17 : memref<1x104xi32, #tpu.memory_space<vmem>> -> memref<104xi32, #tpu.memory_space<vmem>>
    %dma_start3A_19 = arith.constant 0 : i32
    %dma_start3A_20 = arith.constant 0 : i32
    %dma_start3A_21 = tpu.memref_slice %arg2[%dma_start3A_19, %dma_start3A_20] : memref<2600000x16xf32, #tpu.memory_space<hbm>> -> memref<2600000x16xf32, #tpu.memory_space<hbm>>
    tpu.enqueue_indirect_dma source(%dma_start3A_21 : memref<2600000x16xf32, #tpu.memory_space<hbm>>) target(%dma_start3A_15 : memref<104x16xf32, #tpu.memory_space<vmem>>) offsets(%dma_start3A_18 : memref<104xi32, #tpu.memory_space<vmem>>) semaphore(%arg7 : memref<!tpu.dma_semaphore, #tpu.memory_space<semaphore_mem>>)
    %dma_start3A_22 = arith.constant 2 : i32
    %dma_start3A_23 = arith.constant 208 : i32
    %dma_start3A_24 = arith.constant 0 : i32
    %dma_start3A_25 = tpu.memref_slice %arg6[%dma_start3A_23, %dma_start3A_24] : memref<832x16xf32, #tpu.memory_space<vmem>> -> memref<104x16xf32, #tpu.memory_space<vmem>>
    %dma_start3A_26 = arith.constant 0 : i32
    %dma_start3A_27 = tpu.memref_slice %arg5[%dma_start3A_22, %dma_start3A_26] : memref<8x104xi32, #tpu.memory_space<vmem>> -> memref<1x104xi32, #tpu.memory_space<vmem>>
    %dma_start3A_28 = tpu.memref_squeeze %dma_start3A_27 : memref<1x104xi32, #tpu.memory_space<vmem>> -> memref<104xi32, #tpu.memory_space<vmem>>
    %dma_start3A_29 = arith.constant 0 : i32
    %dma_start3A_30 = arith.constant 0 : i32
    %dma_start3A_31 = tpu.memref_slice %arg2[%dma_start3A_29, %dma_start3A_30] : memref<2600000x16xf32, #tpu.memory_space<hbm>> -> memref<2600000x16xf32, #tpu.memory_space<hbm>>
    tpu.enqueue_indirect_dma source(%dma_start3A_31 : memref<2600000x16xf32, #tpu.memory_space<hbm>>) target(%dma_start3A_25 : memref<104x16xf32, #tpu.memory_space<vmem>>) offsets(%dma_start3A_28 : memref<104xi32, #tpu.memory_space<vmem>>) semaphore(%arg7 : memref<!tpu.dma_semaphore, #tpu.memory_space<semaphore_mem>>)
    %dma_start3A_32 = arith.constant 3 : i32
    %dma_start3A_33 = arith.constant 312 : i32
    %dma_start3A_34 = arith.constant 0 : i32
    %dma_start3A_35 = tpu.memref_slice %arg6[%dma_start3A_33, %dma_start3A_34] : memref<832x16xf32, #tpu.memory_space<vmem>> -> memref<104x16xf32, #tpu.memory_space<vmem>>
    %dma_start3A_36 = arith.constant 0 : i32
    %dma_start3A_37 = tpu.memref_slice %arg5[%dma_start3A_32, %dma_start3A_36] : memref<8x104xi32, #tpu.memory_space<vmem>> -> memref<1x104xi32, #tpu.memory_space<vmem>>
    %dma_start3A_38 = tpu.memref_squeeze %dma_start3A_37 : memref<1x104xi32, #tpu.memory_space<vmem>> -> memref<104xi32, #tpu.memory_space<vmem>>
    %dma_start3A_39 = arith.constant 0 : i32
    %dma_start3A_40 = arith.constant 0 : i32
    %dma_start3A_41 = tpu.memref_slice %arg2[%dma_start3A_39, %dma_start3A_40] : memref<2600000x16xf32, #tpu.memory_space<hbm>> -> memref<2600000x16xf32, #tpu.memory_space<hbm>>
    tpu.enqueue_indirect_dma source(%dma_start3A_41 : memref<2600000x16xf32, #tpu.memory_space<hbm>>) target(%dma_start3A_35 : memref<104x16xf32, #tpu.memory_space<vmem>>) offsets(%dma_start3A_38 : memref<104xi32, #tpu.memory_space<vmem>>) semaphore(%arg7 : memref<!tpu.dma_semaphore, #tpu.memory_space<semaphore_mem>>)
    %dma_start3A_42 = arith.constant 4 : i32
    %dma_start3A_43 = arith.constant 416 : i32
    %dma_start3A_44 = arith.constant 0 : i32
    %dma_start3A_45 = tpu.memref_slice %arg6[%dma_start3A_43, %dma_start3A_44] : memref<832x16xf32, #tpu.memory_space<vmem>> -> memref<104x16xf32, #tpu.memory_space<vmem>>
    %dma_start3A_46 = arith.constant 0 : i32
    %dma_start3A_47 = tpu.memref_slice %arg5[%dma_start3A_42, %dma_start3A_46] : memref<8x104xi32, #tpu.memory_space<vmem>> -> memref<1x104xi32, #tpu.memory_space<vmem>>
    %dma_start3A_48 = tpu.memref_squeeze %dma_start3A_47 : memref<1x104xi32, #tpu.memory_space<vmem>> -> memref<104xi32, #tpu.memory_space<vmem>>
    %dma_start3A_49 = arith.constant 0 : i32
    %dma_start3A_50 = arith.constant 0 : i32
    %dma_start3A_51 = tpu.memref_slice %arg2[%dma_start3A_49, %dma_start3A_50] : memref<2600000x16xf32, #tpu.memory_space<hbm>> -> memref<2600000x16xf32, #tpu.memory_space<hbm>>
    tpu.enqueue_indirect_dma source(%dma_start3A_51 : memref<2600000x16xf32, #tpu.memory_space<hbm>>) target(%dma_start3A_45 : memref<104x16xf32, #tpu.memory_space<vmem>>) offsets(%dma_start3A_48 : memref<104xi32, #tpu.memory_space<vmem>>) semaphore(%arg7 : memref<!tpu.dma_semaphore, #tpu.memory_space<semaphore_mem>>)
    %dma_start3A_52 = arith.constant 5 : i32
    %dma_start3A_53 = arith.constant 520 : i32
    %dma_start3A_54 = arith.constant 0 : i32
    %dma_start3A_55 = tpu.memref_slice %arg6[%dma_start3A_53, %dma_start3A_54] : memref<832x16xf32, #tpu.memory_space<vmem>> -> memref<104x16xf32, #tpu.memory_space<vmem>>
    %dma_start3A_56 = arith.constant 0 : i32
    %dma_start3A_57 = tpu.memref_slice %arg5[%dma_start3A_52, %dma_start3A_56] : memref<8x104xi32, #tpu.memory_space<vmem>> -> memref<1x104xi32, #tpu.memory_space<vmem>>
    %dma_start3A_58 = tpu.memref_squeeze %dma_start3A_57 : memref<1x104xi32, #tpu.memory_space<vmem>> -> memref<104xi32, #tpu.memory_space<vmem>>
    %dma_start3A_59 = arith.constant 0 : i32
    %dma_start3A_60 = arith.constant 0 : i32
    %dma_start3A_61 = tpu.memref_slice %arg2[%dma_start3A_59, %dma_start3A_60] : memref<2600000x16xf32, #tpu.memory_space<hbm>> -> memref<2600000x16xf32, #tpu.memory_space<hbm>>
    tpu.enqueue_indirect_dma source(%dma_start3A_61 : memref<2600000x16xf32, #tpu.memory_space<hbm>>) target(%dma_start3A_55 : memref<104x16xf32, #tpu.memory_space<vmem>>) offsets(%dma_start3A_58 : memref<104xi32, #tpu.memory_space<vmem>>) semaphore(%arg7 : memref<!tpu.dma_semaphore, #tpu.memory_space<semaphore_mem>>)
    %dma_start3A_62 = arith.constant 6 : i32
    %dma_start3A_63 = arith.constant 624 : i32
    %dma_start3A_64 = arith.constant 0 : i32
    %dma_start3A_65 = tpu.memref_slice %arg6[%dma_start3A_63, %dma_start3A_64] : memref<832x16xf32, #tpu.memory_space<vmem>> -> memref<104x16xf32, #tpu.memory_space<vmem>>
    %dma_start3A_66 = arith.constant 0 : i32
    %dma_start3A_67 = tpu.memref_slice %arg5[%dma_start3A_62, %dma_start3A_66] : memref<8x104xi32, #tpu.memory_space<vmem>> -> memref<1x104xi32, #tpu.memory_space<vmem>>
    %dma_start3A_68 = tpu.memref_squeeze %dma_start3A_67 : memref<1x104xi32, #tpu.memory_space<vmem>> -> memref<104xi32, #tpu.memory_space<vmem>>
    %dma_start3A_69 = arith.constant 0 : i32
    %dma_start3A_70 = arith.constant 0 : i32
    %dma_start3A_71 = tpu.memref_slice %arg2[%dma_start3A_69, %dma_start3A_70] : memref<2600000x16xf32, #tpu.memory_space<hbm>> -> memref<2600000x16xf32, #tpu.memory_space<hbm>>
    tpu.enqueue_indirect_dma source(%dma_start3A_71 : memref<2600000x16xf32, #tpu.memory_space<hbm>>) target(%dma_start3A_65 : memref<104x16xf32, #tpu.memory_space<vmem>>) offsets(%dma_start3A_68 : memref<104xi32, #tpu.memory_space<vmem>>) semaphore(%arg7 : memref<!tpu.dma_semaphore, #tpu.memory_space<semaphore_mem>>)
    %dma_start3A_72 = arith.constant 7 : i32
    %dma_start3A_73 = arith.constant 728 : i32
    %dma_start3A_74 = arith.constant 0 : i32
    %dma_start3A_75 = tpu.memref_slice %arg6[%dma_start3A_73, %dma_start3A_74] : memref<832x16xf32, #tpu.memory_space<vmem>> -> memref<104x16xf32, #tpu.memory_space<vmem>>
    %dma_start3A_76 = arith.constant 0 : i32
    %dma_start3A_77 = tpu.memref_slice %arg5[%dma_start3A_72, %dma_start3A_76] : memref<8x104xi32, #tpu.memory_space<vmem>> -> memref<1x104xi32, #tpu.memory_space<vmem>>
    %dma_start3A_78 = tpu.memref_squeeze %dma_start3A_77 : memref<1x104xi32, #tpu.memory_space<vmem>> -> memref<104xi32, #tpu.memory_space<vmem>>
    %dma_start3A_79 = arith.constant 0 : i32
    %dma_start3A_80 = arith.constant 0 : i32
    %dma_start3A_81 = tpu.memref_slice %arg2[%dma_start3A_79, %dma_start3A_80] : memref<2600000x16xf32, #tpu.memory_space<hbm>> -> memref<2600000x16xf32, #tpu.memory_space<hbm>>
    tpu.enqueue_indirect_dma source(%dma_start3A_81 : memref<2600000x16xf32, #tpu.memory_space<hbm>>) target(%dma_start3A_75 : memref<104x16xf32, #tpu.memory_space<vmem>>) offsets(%dma_start3A_78 : memref<104xi32, #tpu.memory_space<vmem>>) semaphore(%arg7 : memref<!tpu.dma_semaphore, #tpu.memory_space<semaphore_mem>>)
    %dma_wait3A = arith.constant 0 : i32
    %dma_wait3A_82 = arith.constant 0 : i32
    %dma_wait3A_83 = arith.constant 0 : i32
    %dma_wait3A_84 = tpu.memref_slice %arg6[%dma_wait3A_82, %dma_wait3A_83] : memref<832x16xf32, #tpu.memory_space<vmem>> -> memref<104x16xf32, #tpu.memory_space<vmem>>
    %dma_wait3A_85 = arith.constant 0 : i32
    %dma_wait3A_86 = tpu.memref_slice %arg5[%dma_wait3A, %dma_wait3A_85] : memref<8x104xi32, #tpu.memory_space<vmem>> -> memref<1x104xi32, #tpu.memory_space<vmem>>
    %dma_wait3A_87 = tpu.memref_squeeze %dma_wait3A_86 : memref<1x104xi32, #tpu.memory_space<vmem>> -> memref<104xi32, #tpu.memory_space<vmem>>
    %dma_wait3A_88 = arith.constant 0 : i32
    %dma_wait3A_89 = arith.constant 0 : i32
    %dma_wait3A_90 = tpu.memref_slice %arg2[%dma_wait3A_88, %dma_wait3A_89] : memref<2600000x16xf32, #tpu.memory_space<hbm>> -> memref<2600000x16xf32, #tpu.memory_space<hbm>>
    tpu.wait_indirect_dma semaphore(%arg7 : memref<!tpu.dma_semaphore, #tpu.memory_space<semaphore_mem>>) src(%dma_wait3A_90 : memref<2600000x16xf32, #tpu.memory_space<hbm>>) dst(%dma_wait3A_84 : memref<104x16xf32, #tpu.memory_space<vmem>>)
    %dma_wait3A_91 = arith.constant 1 : i32
    %dma_wait3A_92 = arith.constant 104 : i32
    %dma_wait3A_93 = arith.constant 0 : i32
    %dma_wait3A_94 = tpu.memref_slice %arg6[%dma_wait3A_92, %dma_wait3A_93] : memref<832x16xf32, #tpu.memory_space<vmem>> -> memref<104x16xf32, #tpu.memory_space<vmem>>
    %dma_wait3A_95 = arith.constant 0 : i32
    %dma_wait3A_96 = tpu.memref_slice %arg5[%dma_wait3A_91, %dma_wait3A_95] : memref<8x104xi32, #tpu.memory_space<vmem>> -> memref<1x104xi32, #tpu.memory_space<vmem>>
    %dma_wait3A_97 = tpu.memref_squeeze %dma_wait3A_96 : memref<1x104xi32, #tpu.memory_space<vmem>> -> memref<104xi32, #tpu.memory_space<vmem>>
    %dma_wait3A_98 = arith.constant 0 : i32
    %dma_wait3A_99 = arith.constant 0 : i32
    %dma_wait3A_100 = tpu.memref_slice %arg2[%dma_wait3A_98, %dma_wait3A_99] : memref<2600000x16xf32, #tpu.memory_space<hbm>> -> memref<2600000x16xf32, #tpu.memory_space<hbm>>
    tpu.wait_indirect_dma semaphore(%arg7 : memref<!tpu.dma_semaphore, #tpu.memory_space<semaphore_mem>>) src(%dma_wait3A_100 : memref<2600000x16xf32, #tpu.memory_space<hbm>>) dst(%dma_wait3A_94 : memref<104x16xf32, #tpu.memory_space<vmem>>)
    %dma_wait3A_101 = arith.constant 2 : i32
    %dma_wait3A_102 = arith.constant 208 : i32
    %dma_wait3A_103 = arith.constant 0 : i32
    %dma_wait3A_104 = tpu.memref_slice %arg6[%dma_wait3A_102, %dma_wait3A_103] : memref<832x16xf32, #tpu.memory_space<vmem>> -> memref<104x16xf32, #tpu.memory_space<vmem>>
    %dma_wait3A_105 = arith.constant 0 : i32
    %dma_wait3A_106 = tpu.memref_slice %arg5[%dma_wait3A_101, %dma_wait3A_105] : memref<8x104xi32, #tpu.memory_space<vmem>> -> memref<1x104xi32, #tpu.memory_space<vmem>>
    %dma_wait3A_107 = tpu.memref_squeeze %dma_wait3A_106 : memref<1x104xi32, #tpu.memory_space<vmem>> -> memref<104xi32, #tpu.memory_space<vmem>>
    %dma_wait3A_108 = arith.constant 0 : i32
    %dma_wait3A_109 = arith.constant 0 : i32
    %dma_wait3A_110 = tpu.memref_slice %arg2[%dma_wait3A_108, %dma_wait3A_109] : memref<2600000x16xf32, #tpu.memory_space<hbm>> -> memref<2600000x16xf32, #tpu.memory_space<hbm>>
    tpu.wait_indirect_dma semaphore(%arg7 : memref<!tpu.dma_semaphore, #tpu.memory_space<semaphore_mem>>) src(%dma_wait3A_110 : memref<2600000x16xf32, #tpu.memory_space<hbm>>) dst(%dma_wait3A_104 : memref<104x16xf32, #tpu.memory_space<vmem>>)
    %dma_wait3A_111 = arith.constant 3 : i32
    %dma_wait3A_112 = arith.constant 312 : i32
    %dma_wait3A_113 = arith.constant 0 : i32
    %dma_wait3A_114 = tpu.memref_slice %arg6[%dma_wait3A_112, %dma_wait3A_113] : memref<832x16xf32, #tpu.memory_space<vmem>> -> memref<104x16xf32, #tpu.memory_space<vmem>>
    %dma_wait3A_115 = arith.constant 0 : i32
    %dma_wait3A_116 = tpu.memref_slice %arg5[%dma_wait3A_111, %dma_wait3A_115] : memref<8x104xi32, #tpu.memory_space<vmem>> -> memref<1x104xi32, #tpu.memory_space<vmem>>
    %dma_wait3A_117 = tpu.memref_squeeze %dma_wait3A_116 : memref<1x104xi32, #tpu.memory_space<vmem>> -> memref<104xi32, #tpu.memory_space<vmem>>
    %dma_wait3A_118 = arith.constant 0 : i32
    %dma_wait3A_119 = arith.constant 0 : i32
    %dma_wait3A_120 = tpu.memref_slice %arg2[%dma_wait3A_118, %dma_wait3A_119] : memref<2600000x16xf32, #tpu.memory_space<hbm>> -> memref<2600000x16xf32, #tpu.memory_space<hbm>>
    tpu.wait_indirect_dma semaphore(%arg7 : memref<!tpu.dma_semaphore, #tpu.memory_space<semaphore_mem>>) src(%dma_wait3A_120 : memref<2600000x16xf32, #tpu.memory_space<hbm>>) dst(%dma_wait3A_114 : memref<104x16xf32, #tpu.memory_space<vmem>>)
    %dma_wait3A_121 = arith.constant 4 : i32
    %dma_wait3A_122 = arith.constant 416 : i32
    %dma_wait3A_123 = arith.constant 0 : i32
    %dma_wait3A_124 = tpu.memref_slice %arg6[%dma_wait3A_122, %dma_wait3A_123] : memref<832x16xf32, #tpu.memory_space<vmem>> -> memref<104x16xf32, #tpu.memory_space<vmem>>
    %dma_wait3A_125 = arith.constant 0 : i32
    %dma_wait3A_126 = tpu.memref_slice %arg5[%dma_wait3A_121, %dma_wait3A_125] : memref<8x104xi32, #tpu.memory_space<vmem>> -> memref<1x104xi32, #tpu.memory_space<vmem>>
    %dma_wait3A_127 = tpu.memref_squeeze %dma_wait3A_126 : memref<1x104xi32, #tpu.memory_space<vmem>> -> memref<104xi32, #tpu.memory_space<vmem>>
    %dma_wait3A_128 = arith.constant 0 : i32
    %dma_wait3A_129 = arith.constant 0 : i32
    %dma_wait3A_130 = tpu.memref_slice %arg2[%dma_wait3A_128, %dma_wait3A_129] : memref<2600000x16xf32, #tpu.memory_space<hbm>> -> memref<2600000x16xf32, #tpu.memory_space<hbm>>
    tpu.wait_indirect_dma semaphore(%arg7 : memref<!tpu.dma_semaphore, #tpu.memory_space<semaphore_mem>>) src(%dma_wait3A_130 : memref<2600000x16xf32, #tpu.memory_space<hbm>>) dst(%dma_wait3A_124 : memref<104x16xf32, #tpu.memory_space<vmem>>)
    %dma_wait3A_131 = arith.constant 5 : i32
    %dma_wait3A_132 = arith.constant 520 : i32
    %dma_wait3A_133 = arith.constant 0 : i32
    %dma_wait3A_134 = tpu.memref_slice %arg6[%dma_wait3A_132, %dma_wait3A_133] : memref<832x16xf32, #tpu.memory_space<vmem>> -> memref<104x16xf32, #tpu.memory_space<vmem>>
    %dma_wait3A_135 = arith.constant 0 : i32
    %dma_wait3A_136 = tpu.memref_slice %arg5[%dma_wait3A_131, %dma_wait3A_135] : memref<8x104xi32, #tpu.memory_space<vmem>> -> memref<1x104xi32, #tpu.memory_space<vmem>>
    %dma_wait3A_137 = tpu.memref_squeeze %dma_wait3A_136 : memref<1x104xi32, #tpu.memory_space<vmem>> -> memref<104xi32, #tpu.memory_space<vmem>>
    %dma_wait3A_138 = arith.constant 0 : i32
    %dma_wait3A_139 = arith.constant 0 : i32
    %dma_wait3A_140 = tpu.memref_slice %arg2[%dma_wait3A_138, %dma_wait3A_139] : memref<2600000x16xf32, #tpu.memory_space<hbm>> -> memref<2600000x16xf32, #tpu.memory_space<hbm>>
    tpu.wait_indirect_dma semaphore(%arg7 : memref<!tpu.dma_semaphore, #tpu.memory_space<semaphore_mem>>) src(%dma_wait3A_140 : memref<2600000x16xf32, #tpu.memory_space<hbm>>) dst(%dma_wait3A_134 : memref<104x16xf32, #tpu.memory_space<vmem>>)
    %dma_wait3A_141 = arith.constant 6 : i32
    %dma_wait3A_142 = arith.constant 624 : i32
    %dma_wait3A_143 = arith.constant 0 : i32
    %dma_wait3A_144 = tpu.memref_slice %arg6[%dma_wait3A_142, %dma_wait3A_143] : memref<832x16xf32, #tpu.memory_space<vmem>> -> memref<104x16xf32, #tpu.memory_space<vmem>>
    %dma_wait3A_145 = arith.constant 0 : i32
    %dma_wait3A_146 = tpu.memref_slice %arg5[%dma_wait3A_141, %dma_wait3A_145] : memref<8x104xi32, #tpu.memory_space<vmem>> -> memref<1x104xi32, #tpu.memory_space<vmem>>
    %dma_wait3A_147 = tpu.memref_squeeze %dma_wait3A_146 : memref<1x104xi32, #tpu.memory_space<vmem>> -> memref<104xi32, #tpu.memory_space<vmem>>
    %dma_wait3A_148 = arith.constant 0 : i32
    %dma_wait3A_149 = arith.constant 0 : i32
    %dma_wait3A_150 = tpu.memref_slice %arg2[%dma_wait3A_148, %dma_wait3A_149] : memref<2600000x16xf32, #tpu.memory_space<hbm>> -> memref<2600000x16xf32, #tpu.memory_space<hbm>>
    tpu.wait_indirect_dma semaphore(%arg7 : memref<!tpu.dma_semaphore, #tpu.memory_space<semaphore_mem>>) src(%dma_wait3A_150 : memref<2600000x16xf32, #tpu.memory_space<hbm>>) dst(%dma_wait3A_144 : memref<104x16xf32, #tpu.memory_space<vmem>>)
    %dma_wait3A_151 = arith.constant 7 : i32
    %dma_wait3A_152 = arith.constant 728 : i32
    %dma_wait3A_153 = arith.constant 0 : i32
    %dma_wait3A_154 = tpu.memref_slice %arg6[%dma_wait3A_152, %dma_wait3A_153] : memref<832x16xf32, #tpu.memory_space<vmem>> -> memref<104x16xf32, #tpu.memory_space<vmem>>
    %dma_wait3A_155 = arith.constant 0 : i32
    %dma_wait3A_156 = tpu.memref_slice %arg5[%dma_wait3A_151, %dma_wait3A_155] : memref<8x104xi32, #tpu.memory_space<vmem>> -> memref<1x104xi32, #tpu.memory_space<vmem>>
    %dma_wait3A_157 = tpu.memref_squeeze %dma_wait3A_156 : memref<1x104xi32, #tpu.memory_space<vmem>> -> memref<104xi32, #tpu.memory_space<vmem>>
    %dma_wait3A_158 = arith.constant 0 : i32
    %dma_wait3A_159 = arith.constant 0 : i32
    %dma_wait3A_160 = tpu.memref_slice %arg2[%dma_wait3A_158, %dma_wait3A_159] : memref<2600000x16xf32, #tpu.memory_space<hbm>> -> memref<2600000x16xf32, #tpu.memory_space<hbm>>
    tpu.wait_indirect_dma semaphore(%arg7 : memref<!tpu.dma_semaphore, #tpu.memory_space<semaphore_mem>>) src(%dma_wait3A_160 : memref<2600000x16xf32, #tpu.memory_space<hbm>>) dst(%dma_wait3A_154 : memref<104x16xf32, #tpu.memory_space<vmem>>)
    "tpu.region"() ({
      %run_scoped3A = tpu.sem_alloc : memref<!tpu.dma_semaphore, #tpu.memory_space<semaphore_mem>>
      %dma_start3A_161 = arith.constant 0 : i32
      %dma_start3A_162 = tpu.memref_slice %arg4[%mul3A_2, %dma_start3A_161] : memref<26624x16xf32, #tpu.memory_space<hbm>> -> memref<832x16xf32, #tpu.memory_space<hbm>>
      %dma_start3A_163 = arith.constant 0 : i32
      %dma_start3A_164 = tpu.memref_slice %arg4[%mul3A_2, %dma_start3A_163] : memref<26624x16xf32, #tpu.memory_space<hbm>> -> memref<832x16xf32, #tpu.memory_space<hbm>>
      tpu.enqueue_dma source(%arg6 : memref<832x16xf32, #tpu.memory_space<vmem>>) target(%dma_start3A_164 : memref<832x16xf32, #tpu.memory_space<hbm>>) target_semaphore(%run_scoped3A : memref<!tpu.dma_semaphore, #tpu.memory_space<semaphore_mem>>)
      %dma_wait3A_165 = arith.constant 0 : i32
      %dma_wait3A_166 = tpu.memref_slice %arg4[%mul3A_2, %dma_wait3A_165] : memref<26624x16xf32, #tpu.memory_space<hbm>> -> memref<832x16xf32, #tpu.memory_space<hbm>>
      %dma_wait3A_167 = arith.constant 0 : i32
      %dma_wait3A_168 = tpu.memref_slice %arg4[%mul3A_2, %dma_wait3A_167] : memref<26624x16xf32, #tpu.memory_space<hbm>> -> memref<832x16xf32, #tpu.memory_space<hbm>>
      tpu.wait_dma2 semaphore(%run_scoped3A : memref<!tpu.dma_semaphore, #tpu.memory_space<semaphore_mem>>) src(%arg6 : memref<832x16xf32, #tpu.memory_space<vmem>>) dst(%dma_wait3A_168 : memref<832x16xf32, #tpu.memory_space<hbm>>)
      tpu.yield
    }) : () -> ()
    return
  }
}

module attributes {stable_mosaic.version = 14 : i64} {
  func.func @_tc_body(%arg0: i32, %arg1: memref<256x416xf32, #tpu.memory_space<vmem>>, %arg2: memref<41x128x128xf32, #tpu.memory_space<vmem>>, %arg3: memref<416x400xf32, #tpu.memory_space<vmem>>, %arg4: memref<5248x400xf32, #tpu.memory_space<vmem>>, %arg5: memref<5248x400xf32, #tpu.memory_space<vmem>>, %arg6: memref<1x400xf32, #tpu.memory_space<vmem>>, %arg7: memref<400x400xf32, #tpu.memory_space<vmem>>, %arg8: memref<1x400xf32, #tpu.memory_space<vmem>>, %arg9: memref<400x400xf32, #tpu.memory_space<vmem>>, %arg10: memref<1x400xf32, #tpu.memory_space<vmem>>, %arg11: memref<400x1xf32, #tpu.memory_space<vmem>>, %arg12: memref<1x1xf32, #tpu.memory_space<vmem>>, %arg13: memref<256x1xf32, #tpu.memory_space<vmem>>) attributes {dimension_semantics = [#tpu.dimension_semantics<arbitrary>], iteration_bounds = array<i64: 4>, scalar_prefetch = 0 : i64, scratch_operands = 0 : i64, tpu.core_type = #tpu.core_type<tc>, window_params = [{transform_indices = @transform_0, window_bounds = array<i64: 256, 416>}, {pipeline_mode = #tpu.pipeline_mode<synchronous>, transform_indices = @transform_1, window_bounds = array<i64: 41, 128, 128>}, {pipeline_mode = #tpu.pipeline_mode<synchronous>, transform_indices = @transform_2, window_bounds = array<i64: 416, 400>}, {pipeline_mode = #tpu.pipeline_mode<synchronous>, transform_indices = @transform_3, window_bounds = array<i64: 5248, 400>}, {pipeline_mode = #tpu.pipeline_mode<synchronous>, transform_indices = @transform_4, window_bounds = array<i64: 5248, 400>}, {pipeline_mode = #tpu.pipeline_mode<synchronous>, transform_indices = @transform_5, window_bounds = array<i64: 1, 400>}, {pipeline_mode = #tpu.pipeline_mode<synchronous>, transform_indices = @transform_6, window_bounds = array<i64: 400, 400>}, {pipeline_mode = #tpu.pipeline_mode<synchronous>, transform_indices = @transform_7, window_bounds = array<i64: 1, 400>}, {pipeline_mode = #tpu.pipeline_mode<synchronous>, transform_indices = @transform_8, window_bounds = array<i64: 400, 400>}, {pipeline_mode = #tpu.pipeline_mode<synchronous>, transform_indices = @transform_9, window_bounds = array<i64: 1, 400>}, {pipeline_mode = #tpu.pipeline_mode<synchronous>, transform_indices = @transform_10, window_bounds = array<i64: 400, 1>}, {pipeline_mode = #tpu.pipeline_mode<synchronous>, transform_indices = @transform_11, window_bounds = array<i64: 1, 1>}, {transform_indices = @transform_12, window_bounds = array<i64: 256, 1>}]} {
    %get3A = arith.constant 0 : index
    %get3A_0 = arith.constant 0 : index
    %get3A_1 = vector.load %arg1[%get3A, %get3A_0] : memref<256x416xf32, #tpu.memory_space<vmem>>, vector<256x416xf32>
    %broadcast_in_dim3A = arith.constant 0.000000e+00 : f32
    %broadcast_in_dim3A_2 = vector.broadcast %broadcast_in_dim3A : f32 to vector<256x48xf32>
    %slice3A = vector.extract_strided_slice %get3A_1 {offsets = [0, 16], sizes = [256, 400], strides = [1, 1]} : vector<256x416xf32> to vector<256x400xf32>
    %slice3A_3 = vector.extract_strided_slice %get3A_1 {offsets = [0, 32], sizes = [256, 384], strides = [1, 1]} : vector<256x416xf32> to vector<256x384xf32>
    %slice3A_4 = vector.extract_strided_slice %get3A_1 {offsets = [0, 48], sizes = [256, 368], strides = [1, 1]} : vector<256x416xf32> to vector<256x368xf32>
    %slice3A_5 = vector.extract_strided_slice %get3A_1 {offsets = [0, 64], sizes = [256, 352], strides = [1, 1]} : vector<256x416xf32> to vector<256x352xf32>
    %slice3A_6 = vector.extract_strided_slice %get3A_1 {offsets = [0, 80], sizes = [256, 336], strides = [1, 1]} : vector<256x416xf32> to vector<256x336xf32>
    %slice3A_7 = vector.extract_strided_slice %get3A_1 {offsets = [0, 96], sizes = [256, 320], strides = [1, 1]} : vector<256x416xf32> to vector<256x320xf32>
    %slice3A_8 = vector.extract_strided_slice %get3A_1 {offsets = [0, 112], sizes = [256, 304], strides = [1, 1]} : vector<256x416xf32> to vector<256x304xf32>
    %slice3A_9 = vector.extract_strided_slice %get3A_1 {offsets = [0, 128], sizes = [256, 288], strides = [1, 1]} : vector<256x416xf32> to vector<256x288xf32>
    %slice3A_10 = vector.extract_strided_slice %get3A_1 {offsets = [0, 144], sizes = [256, 272], strides = [1, 1]} : vector<256x416xf32> to vector<256x272xf32>
    %slice3A_11 = vector.extract_strided_slice %get3A_1 {offsets = [0, 160], sizes = [256, 256], strides = [1, 1]} : vector<256x416xf32> to vector<256x256xf32>
    %slice3A_12 = vector.extract_strided_slice %get3A_1 {offsets = [0, 176], sizes = [256, 240], strides = [1, 1]} : vector<256x416xf32> to vector<256x240xf32>
    %slice3A_13 = vector.extract_strided_slice %get3A_1 {offsets = [0, 192], sizes = [256, 224], strides = [1, 1]} : vector<256x416xf32> to vector<256x224xf32>
    %slice3A_14 = vector.extract_strided_slice %get3A_1 {offsets = [0, 208], sizes = [256, 208], strides = [1, 1]} : vector<256x416xf32> to vector<256x208xf32>
    %slice3A_15 = vector.extract_strided_slice %get3A_1 {offsets = [0, 224], sizes = [256, 192], strides = [1, 1]} : vector<256x416xf32> to vector<256x192xf32>
    %slice3A_16 = vector.extract_strided_slice %get3A_1 {offsets = [0, 240], sizes = [256, 176], strides = [1, 1]} : vector<256x416xf32> to vector<256x176xf32>
    %slice3A_17 = vector.extract_strided_slice %get3A_1 {offsets = [0, 256], sizes = [256, 160], strides = [1, 1]} : vector<256x416xf32> to vector<256x160xf32>
    %slice3A_18 = vector.extract_strided_slice %get3A_1 {offsets = [0, 272], sizes = [256, 144], strides = [1, 1]} : vector<256x416xf32> to vector<256x144xf32>
    %slice3A_19 = vector.extract_strided_slice %get3A_1 {offsets = [0, 288], sizes = [256, 128], strides = [1, 1]} : vector<256x416xf32> to vector<256x128xf32>
    %slice3A_20 = vector.extract_strided_slice %get3A_1 {offsets = [0, 304], sizes = [256, 112], strides = [1, 1]} : vector<256x416xf32> to vector<256x112xf32>
    %slice3A_21 = vector.extract_strided_slice %get3A_1 {offsets = [0, 320], sizes = [256, 96], strides = [1, 1]} : vector<256x416xf32> to vector<256x96xf32>
    %slice3A_22 = vector.extract_strided_slice %get3A_1 {offsets = [0, 336], sizes = [256, 80], strides = [1, 1]} : vector<256x416xf32> to vector<256x80xf32>
    %slice3A_23 = vector.extract_strided_slice %get3A_1 {offsets = [0, 352], sizes = [256, 64], strides = [1, 1]} : vector<256x416xf32> to vector<256x64xf32>
    %slice3A_24 = vector.extract_strided_slice %get3A_1 {offsets = [0, 368], sizes = [256, 48], strides = [1, 1]} : vector<256x416xf32> to vector<256x48xf32>
    %slice3A_25 = vector.extract_strided_slice %get3A_1 {offsets = [0, 384], sizes = [256, 32], strides = [1, 1]} : vector<256x416xf32> to vector<256x32xf32>
    %slice3A_26 = vector.extract_strided_slice %get3A_1 {offsets = [0, 400], sizes = [256, 16], strides = [1, 1]} : vector<256x416xf32> to vector<256x16xf32>
    %concatenate3A = tpu.concatenate %slice3A, %slice3A_3, %slice3A_4, %slice3A_5, %slice3A_6, %slice3A_7, %slice3A_8, %slice3A_9, %slice3A_10, %slice3A_11, %slice3A_12, %slice3A_13, %slice3A_14, %slice3A_15, %slice3A_16, %slice3A_17, %slice3A_18, %slice3A_19, %slice3A_20, %slice3A_21, %slice3A_22, %slice3A_23, %slice3A_24, %slice3A_25, %slice3A_26, %broadcast_in_dim3A_2 in 1 : vector<256x400xf32>, vector<256x384xf32>, vector<256x368xf32>, vector<256x352xf32>, vector<256x336xf32>, vector<256x320xf32>, vector<256x304xf32>, vector<256x288xf32>, vector<256x272xf32>, vector<256x256xf32>, vector<256x240xf32>, vector<256x224xf32>, vector<256x208xf32>, vector<256x192xf32>, vector<256x176xf32>, vector<256x160xf32>, vector<256x144xf32>, vector<256x128xf32>, vector<256x112xf32>, vector<256x96xf32>, vector<256x80xf32>, vector<256x64xf32>, vector<256x48xf32>, vector<256x32xf32>, vector<256x16xf32>, vector<256x48xf32> -> vector<256x5248xf32>
    %slice3A_27 = vector.extract_strided_slice %get3A_1 {offsets = [0, 0], sizes = [256, 16], strides = [1, 1]} : vector<256x416xf32> to vector<256x16xf32>
    %slice3A_28 = vector.extract_strided_slice %get3A_1 {offsets = [0, 16], sizes = [256, 16], strides = [1, 1]} : vector<256x416xf32> to vector<256x16xf32>
    %slice3A_29 = vector.extract_strided_slice %get3A_1 {offsets = [0, 32], sizes = [256, 16], strides = [1, 1]} : vector<256x416xf32> to vector<256x16xf32>
    %slice3A_30 = vector.extract_strided_slice %get3A_1 {offsets = [0, 48], sizes = [256, 16], strides = [1, 1]} : vector<256x416xf32> to vector<256x16xf32>
    %slice3A_31 = vector.extract_strided_slice %get3A_1 {offsets = [0, 64], sizes = [256, 16], strides = [1, 1]} : vector<256x416xf32> to vector<256x16xf32>
    %slice3A_32 = vector.extract_strided_slice %get3A_1 {offsets = [0, 80], sizes = [256, 16], strides = [1, 1]} : vector<256x416xf32> to vector<256x16xf32>
    %slice3A_33 = vector.extract_strided_slice %get3A_1 {offsets = [0, 96], sizes = [256, 16], strides = [1, 1]} : vector<256x416xf32> to vector<256x16xf32>
    %slice3A_34 = vector.extract_strided_slice %get3A_1 {offsets = [0, 112], sizes = [256, 16], strides = [1, 1]} : vector<256x416xf32> to vector<256x16xf32>
    %slice3A_35 = vector.extract_strided_slice %get3A_1 {offsets = [0, 128], sizes = [256, 16], strides = [1, 1]} : vector<256x416xf32> to vector<256x16xf32>
    %slice3A_36 = vector.extract_strided_slice %get3A_1 {offsets = [0, 144], sizes = [256, 16], strides = [1, 1]} : vector<256x416xf32> to vector<256x16xf32>
    %slice3A_37 = vector.extract_strided_slice %get3A_1 {offsets = [0, 160], sizes = [256, 16], strides = [1, 1]} : vector<256x416xf32> to vector<256x16xf32>
    %slice3A_38 = vector.extract_strided_slice %get3A_1 {offsets = [0, 176], sizes = [256, 16], strides = [1, 1]} : vector<256x416xf32> to vector<256x16xf32>
    %slice3A_39 = vector.extract_strided_slice %get3A_1 {offsets = [0, 192], sizes = [256, 16], strides = [1, 1]} : vector<256x416xf32> to vector<256x16xf32>
    %slice3A_40 = vector.extract_strided_slice %get3A_1 {offsets = [0, 208], sizes = [256, 16], strides = [1, 1]} : vector<256x416xf32> to vector<256x16xf32>
    %slice3A_41 = vector.extract_strided_slice %get3A_1 {offsets = [0, 224], sizes = [256, 16], strides = [1, 1]} : vector<256x416xf32> to vector<256x16xf32>
    %slice3A_42 = vector.extract_strided_slice %get3A_1 {offsets = [0, 240], sizes = [256, 16], strides = [1, 1]} : vector<256x416xf32> to vector<256x16xf32>
    %slice3A_43 = vector.extract_strided_slice %get3A_1 {offsets = [0, 256], sizes = [256, 16], strides = [1, 1]} : vector<256x416xf32> to vector<256x16xf32>
    %slice3A_44 = vector.extract_strided_slice %get3A_1 {offsets = [0, 272], sizes = [256, 16], strides = [1, 1]} : vector<256x416xf32> to vector<256x16xf32>
    %slice3A_45 = vector.extract_strided_slice %get3A_1 {offsets = [0, 288], sizes = [256, 16], strides = [1, 1]} : vector<256x416xf32> to vector<256x16xf32>
    %slice3A_46 = vector.extract_strided_slice %get3A_1 {offsets = [0, 304], sizes = [256, 16], strides = [1, 1]} : vector<256x416xf32> to vector<256x16xf32>
    %slice3A_47 = vector.extract_strided_slice %get3A_1 {offsets = [0, 320], sizes = [256, 16], strides = [1, 1]} : vector<256x416xf32> to vector<256x16xf32>
    %slice3A_48 = vector.extract_strided_slice %get3A_1 {offsets = [0, 336], sizes = [256, 16], strides = [1, 1]} : vector<256x416xf32> to vector<256x16xf32>
    %slice3A_49 = vector.extract_strided_slice %get3A_1 {offsets = [0, 352], sizes = [256, 16], strides = [1, 1]} : vector<256x416xf32> to vector<256x16xf32>
    %slice3A_50 = vector.extract_strided_slice %get3A_1 {offsets = [0, 368], sizes = [256, 16], strides = [1, 1]} : vector<256x416xf32> to vector<256x16xf32>
    %slice3A_51 = vector.extract_strided_slice %get3A_1 {offsets = [0, 384], sizes = [256, 16], strides = [1, 1]} : vector<256x416xf32> to vector<256x16xf32>
    %concatenate3A_52 = tpu.concatenate %slice3A_27, %slice3A_27, %slice3A_27, %slice3A_27, %slice3A_27, %slice3A_27, %slice3A_27, %slice3A_27, %slice3A_27, %slice3A_27, %slice3A_27, %slice3A_27, %slice3A_27, %slice3A_27, %slice3A_27, %slice3A_27, %slice3A_27, %slice3A_27, %slice3A_27, %slice3A_27, %slice3A_27, %slice3A_27, %slice3A_27, %slice3A_27, %slice3A_27, %slice3A_28, %slice3A_28, %slice3A_28, %slice3A_28, %slice3A_28, %slice3A_28, %slice3A_28, %slice3A_28, %slice3A_28, %slice3A_28, %slice3A_28, %slice3A_28, %slice3A_28, %slice3A_28, %slice3A_28, %slice3A_28, %slice3A_28, %slice3A_28, %slice3A_28, %slice3A_28, %slice3A_28, %slice3A_28, %slice3A_28, %slice3A_28, %slice3A_29, %slice3A_29, %slice3A_29, %slice3A_29, %slice3A_29, %slice3A_29, %slice3A_29, %slice3A_29, %slice3A_29, %slice3A_29, %slice3A_29, %slice3A_29, %slice3A_29, %slice3A_29, %slice3A_29, %slice3A_29, %slice3A_29, %slice3A_29, %slice3A_29, %slice3A_29, %slice3A_29, %slice3A_29, %slice3A_29, %slice3A_30, %slice3A_30, %slice3A_30, %slice3A_30, %slice3A_30, %slice3A_30, %slice3A_30, %slice3A_30, %slice3A_30, %slice3A_30, %slice3A_30, %slice3A_30, %slice3A_30, %slice3A_30, %slice3A_30, %slice3A_30, %slice3A_30, %slice3A_30, %slice3A_30, %slice3A_30, %slice3A_30, %slice3A_30, %slice3A_31, %slice3A_31, %slice3A_31, %slice3A_31, %slice3A_31, %slice3A_31, %slice3A_31, %slice3A_31, %slice3A_31, %slice3A_31, %slice3A_31, %slice3A_31, %slice3A_31, %slice3A_31, %slice3A_31, %slice3A_31, %slice3A_31, %slice3A_31, %slice3A_31, %slice3A_31, %slice3A_31, %slice3A_32, %slice3A_32, %slice3A_32, %slice3A_32, %slice3A_32, %slice3A_32, %slice3A_32, %slice3A_32, %slice3A_32, %slice3A_32, %slice3A_32, %slice3A_32, %slice3A_32, %slice3A_32, %slice3A_32, %slice3A_32, %slice3A_32, %slice3A_32, %slice3A_32, %slice3A_32, %slice3A_33, %slice3A_33, %slice3A_33, %slice3A_33, %slice3A_33, %slice3A_33, %slice3A_33, %slice3A_33, %slice3A_33, %slice3A_33, %slice3A_33, %slice3A_33, %slice3A_33, %slice3A_33, %slice3A_33, %slice3A_33, %slice3A_33, %slice3A_33, %slice3A_33, %slice3A_34, %slice3A_34, %slice3A_34, %slice3A_34, %slice3A_34, %slice3A_34, %slice3A_34, %slice3A_34, %slice3A_34, %slice3A_34, %slice3A_34, %slice3A_34, %slice3A_34, %slice3A_34, %slice3A_34, %slice3A_34, %slice3A_34, %slice3A_34, %slice3A_35, %slice3A_35, %slice3A_35, %slice3A_35, %slice3A_35, %slice3A_35, %slice3A_35, %slice3A_35, %slice3A_35, %slice3A_35, %slice3A_35, %slice3A_35, %slice3A_35, %slice3A_35, %slice3A_35, %slice3A_35, %slice3A_35, %slice3A_36, %slice3A_36, %slice3A_36, %slice3A_36, %slice3A_36, %slice3A_36, %slice3A_36, %slice3A_36, %slice3A_36, %slice3A_36, %slice3A_36, %slice3A_36, %slice3A_36, %slice3A_36, %slice3A_36, %slice3A_36, %slice3A_37, %slice3A_37, %slice3A_37, %slice3A_37, %slice3A_37, %slice3A_37, %slice3A_37, %slice3A_37, %slice3A_37, %slice3A_37, %slice3A_37, %slice3A_37, %slice3A_37, %slice3A_37, %slice3A_37, %slice3A_38, %slice3A_38, %slice3A_38, %slice3A_38, %slice3A_38, %slice3A_38, %slice3A_38, %slice3A_38, %slice3A_38, %slice3A_38, %slice3A_38, %slice3A_38, %slice3A_38, %slice3A_38, %slice3A_39, %slice3A_39, %slice3A_39, %slice3A_39, %slice3A_39, %slice3A_39, %slice3A_39, %slice3A_39, %slice3A_39, %slice3A_39, %slice3A_39, %slice3A_39, %slice3A_39, %slice3A_40, %slice3A_40, %slice3A_40, %slice3A_40, %slice3A_40, %slice3A_40, %slice3A_40, %slice3A_40, %slice3A_40, %slice3A_40, %slice3A_40, %slice3A_40, %slice3A_41, %slice3A_41, %slice3A_41, %slice3A_41, %slice3A_41, %slice3A_41, %slice3A_41, %slice3A_41, %slice3A_41, %slice3A_41, %slice3A_41, %slice3A_42, %slice3A_42, %slice3A_42, %slice3A_42, %slice3A_42, %slice3A_42, %slice3A_42, %slice3A_42, %slice3A_42, %slice3A_42, %slice3A_43, %slice3A_43, %slice3A_43, %slice3A_43, %slice3A_43, %slice3A_43, %slice3A_43, %slice3A_43, %slice3A_43, %slice3A_44, %slice3A_44, %slice3A_44, %slice3A_44, %slice3A_44, %slice3A_44, %slice3A_44, %slice3A_44, %slice3A_45, %slice3A_45, %slice3A_45, %slice3A_45, %slice3A_45, %slice3A_45, %slice3A_45, %slice3A_46, %slice3A_46, %slice3A_46, %slice3A_46, %slice3A_46, %slice3A_46, %slice3A_47, %slice3A_47, %slice3A_47, %slice3A_47, %slice3A_47, %slice3A_48, %slice3A_48, %slice3A_48, %slice3A_48, %slice3A_49, %slice3A_49, %slice3A_49, %slice3A_50, %slice3A_50, %slice3A_51, %broadcast_in_dim3A_2 in 1 : vector<256x16xf32>, vector<256x16xf32>, vector<256x16xf32>, vector<256x16xf32>, vector<256x16xf32>, vector<256x16xf32>, vector<256x16xf32>, vector<256x16xf32>, vector<256x16xf32>, vector<256x16xf32>, vector<256x16xf32>, vector<256x16xf32>, vector<256x16xf32>, vector<256x16xf32>, vector<256x16xf32>, vector<256x16xf32>, vector<256x16xf32>, vector<256x16xf32>, vector<256x16xf32>, vector<256x16xf32>, vector<256x16xf32>, vector<256x16xf32>, vector<256x16xf32>, vector<256x16xf32>, vector<256x16xf32>, vector<256x16xf32>, vector<256x16xf32>, vector<256x16xf32>, vector<256x16xf32>, vector<256x16xf32>, vector<256x16xf32>, vector<256x16xf32>, vector<256x16xf32>, vector<256x16xf32>, vector<256x16xf32>, vector<256x16xf32>, vector<256x16xf32>, vector<256x16xf32>, vector<256x16xf32>, vector<256x16xf32>, vector<256x16xf32>, vector<256x16xf32>, vector<256x16xf32>, vector<256x16xf32>, vector<256x16xf32>, vector<256x16xf32>, vector<256x16xf32>, vector<256x16xf32>, vector<256x16xf32>, vector<256x16xf32>, vector<256x16xf32>, vector<256x16xf32>, vector<256x16xf32>, vector<256x16xf32>, vector<256x16xf32>, vector<256x16xf32>, vector<256x16xf32>, vector<256x16xf32>, vector<256x16xf32>, vector<256x16xf32>, vector<256x16xf32>, vector<256x16xf32>, vector<256x16xf32>, vector<256x16xf32>, vector<256x16xf32>, vector<256x16xf32>, vector<256x16xf32>, vector<256x16xf32>, vector<256x16xf32>, vector<256x16xf32>, vector<256x16xf32>, vector<256x16xf32>, vector<256x16xf32>, vector<256x16xf32>, vector<256x16xf32>, vector<256x16xf32>, vector<256x16xf32>, vector<256x16xf32>, vector<256x16xf32>, vector<256x16xf32>, vector<256x16xf32>, vector<256x16xf32>, vector<256x16xf32>, vector<256x16xf32>, vector<256x16xf32>, vector<256x16xf32>, vector<256x16xf32>, vector<256x16xf32>, vector<256x16xf32>, vector<256x16xf32>, vector<256x16xf32>, vector<256x16xf32>, vector<256x16xf32>, vector<256x16xf32>, vector<256x16xf32>, vector<256x16xf32>, vector<256x16xf32>, vector<256x16xf32>, vector<256x16xf32>, vector<256x16xf32>, vector<256x16xf32>, vector<256x16xf32>, vector<256x16xf32>, vector<256x16xf32>, vector<256x16xf32>, vector<256x16xf32>, vector<256x16xf32>, vector<256x16xf32>, vector<256x16xf32>, vector<256x16xf32>, vector<256x16xf32>, vector<256x16xf32>, vector<256x16xf32>, vector<256x16xf32>, vector<256x16xf32>, vector<256x16xf32>, vector<256x16xf32>, vector<256x16xf32>, vector<256x16xf32>, vector<256x16xf32>, vector<256x16xf32>, vector<256x16xf32>, vector<256x16xf32>, vector<256x16xf32>, vector<256x16xf32>, vector<256x16xf32>, vector<256x16xf32>, vector<256x16xf32>, vector<256x16xf32>, vector<256x16xf32>, vector<256x16xf32>, vector<256x16xf32>, vector<256x16xf32>, vector<256x16xf32>, vector<256x16xf32>, vector<256x16xf32>, vector<256x16xf32>, vector<256x16xf32>, vector<256x16xf32>, vector<256x16xf32>, vector<256x16xf32>, vector<256x16xf32>, vector<256x16xf32>, vector<256x16xf32>, vector<256x16xf32>, vector<256x16xf32>, vector<256x16xf32>, vector<256x16xf32>, vector<256x16xf32>, vector<256x16xf32>, vector<256x16xf32>, vector<256x16xf32>, vector<256x16xf32>, vector<256x16xf32>, vector<256x16xf32>, vector<256x16xf32>, vector<256x16xf32>, vector<256x16xf32>, vector<256x16xf32>, vector<256x16xf32>, vector<256x16xf32>, vector<256x16xf32>, vector<256x16xf32>, vector<256x16xf32>, vector<256x16xf32>, vector<256x16xf32>, vector<256x16xf32>, vector<256x16xf32>, vector<256x16xf32>, vector<256x16xf32>, vector<256x16xf32>, vector<256x16xf32>, vector<256x16xf32>, vector<256x16xf32>, vector<256x16xf32>, vector<256x16xf32>, vector<256x16xf32>, vector<256x16xf32>, vector<256x16xf32>, vector<256x16xf32>, vector<256x16xf32>, vector<256x16xf32>, vector<256x16xf32>, vector<256x16xf32>, vector<256x16xf32>, vector<256x16xf32>, vector<256x16xf32>, vector<256x16xf32>, vector<256x16xf32>, vector<256x16xf32>, vector<256x16xf32>, vector<256x16xf32>, vector<256x16xf32>, vector<256x16xf32>, vector<256x16xf32>, vector<256x16xf32>, vector<256x16xf32>, vector<256x16xf32>, vector<256x16xf32>, vector<256x16xf32>, vector<256x16xf32>, vector<256x16xf32>, vector<256x16xf32>, vector<256x16xf32>, vector<256x16xf32>, vector<256x16xf32>, vector<256x16xf32>, vector<256x16xf32>, vector<256x16xf32>, vector<256x16xf32>, vector<256x16xf32>, vector<256x16xf32>, vector<256x16xf32>, vector<256x16xf32>, vector<256x16xf32>, vector<256x16xf32>, vector<256x16xf32>, vector<256x16xf32>, vector<256x16xf32>, vector<256x16xf32>, vector<256x16xf32>, vector<256x16xf32>, vector<256x16xf32>, vector<256x16xf32>, vector<256x16xf32>, vector<256x16xf32>, vector<256x16xf32>, vector<256x16xf32>, vector<256x16xf32>, vector<256x16xf32>, vector<256x16xf32>, vector<256x16xf32>, vector<256x16xf32>, vector<256x16xf32>, vector<256x16xf32>, vector<256x16xf32>, vector<256x16xf32>, vector<256x16xf32>, vector<256x16xf32>, vector<256x16xf32>, vector<256x16xf32>, vector<256x16xf32>, vector<256x16xf32>, vector<256x16xf32>, vector<256x16xf32>, vector<256x16xf32>, vector<256x16xf32>, vector<256x16xf32>, vector<256x16xf32>, vector<256x16xf32>, vector<256x16xf32>, vector<256x16xf32>, vector<256x16xf32>, vector<256x16xf32>, vector<256x16xf32>, vector<256x16xf32>, vector<256x16xf32>, vector<256x16xf32>, vector<256x16xf32>, vector<256x16xf32>, vector<256x16xf32>, vector<256x16xf32>, vector<256x16xf32>, vector<256x16xf32>, vector<256x16xf32>, vector<256x16xf32>, vector<256x16xf32>, vector<256x16xf32>, vector<256x16xf32>, vector<256x16xf32>, vector<256x16xf32>, vector<256x16xf32>, vector<256x16xf32>, vector<256x16xf32>, vector<256x16xf32>, vector<256x16xf32>, vector<256x16xf32>, vector<256x16xf32>, vector<256x16xf32>, vector<256x16xf32>, vector<256x16xf32>, vector<256x16xf32>, vector<256x16xf32>, vector<256x16xf32>, vector<256x16xf32>, vector<256x16xf32>, vector<256x16xf32>, vector<256x16xf32>, vector<256x16xf32>, vector<256x16xf32>, vector<256x16xf32>, vector<256x16xf32>, vector<256x16xf32>, vector<256x16xf32>, vector<256x16xf32>, vector<256x16xf32>, vector<256x16xf32>, vector<256x16xf32>, vector<256x16xf32>, vector<256x16xf32>, vector<256x16xf32>, vector<256x16xf32>, vector<256x16xf32>, vector<256x16xf32>, vector<256x16xf32>, vector<256x16xf32>, vector<256x16xf32>, vector<256x16xf32>, vector<256x16xf32>, vector<256x16xf32>, vector<256x16xf32>, vector<256x16xf32>, vector<256x16xf32>, vector<256x16xf32>, vector<256x16xf32>, vector<256x16xf32>, vector<256x16xf32>, vector<256x16xf32>, vector<256x16xf32>, vector<256x16xf32>, vector<256x16xf32>, vector<256x16xf32>, vector<256x16xf32>, vector<256x16xf32>, vector<256x16xf32>, vector<256x48xf32> -> vector<256x5248xf32>
    %slice3A_53 = vector.extract_strided_slice %concatenate3A_52 {offsets = [0, 0], sizes = [256, 128], strides = [1, 1]} : vector<256x5248xf32> to vector<256x128xf32>
    %get3A_54 = arith.constant 0 : index
    %get3A_55 = arith.constant 0 : index
    %get3A_56 = arith.constant 0 : index
    %get3A_57 = vector.load %arg2[%get3A_54, %get3A_55, %get3A_56] : memref<41x128x128xf32, #tpu.memory_space<vmem>>, vector<1x128x128xf32>
    %get3A_58 = vector.shape_cast %get3A_57 : vector<1x128x128xf32> to vector<128x128xf32>
    %dot_general3A = arith.constant dense<0.000000e+00> : vector<256x128xf32>
    %dot_general3A_59 = tpu.matmul %slice3A_53, %get3A_58, %dot_general3A {dimension_numbers = #tpu.dot_dimension_numbers<[1], [0], [0], [1], [0, 0, 1, 1], [], []>, transpose_lhs_hint = false} : vector<256x128xf32>, vector<128x128xf32>, vector<256x128xf32> -> vector<256x128xf32>
    %slice3A_60 = vector.extract_strided_slice %concatenate3A_52 {offsets = [0, 128], sizes = [256, 128], strides = [1, 1]} : vector<256x5248xf32> to vector<256x128xf32>
    %get3A_61 = arith.constant 1 : index
    %get3A_62 = arith.constant 0 : index
    %get3A_63 = arith.constant 0 : index
    %get3A_64 = vector.load %arg2[%get3A_61, %get3A_62, %get3A_63] : memref<41x128x128xf32, #tpu.memory_space<vmem>>, vector<1x128x128xf32>
    %get3A_65 = vector.shape_cast %get3A_64 : vector<1x128x128xf32> to vector<128x128xf32>
    %dot_general3A_66 = arith.constant dense<0.000000e+00> : vector<256x128xf32>
    %dot_general3A_67 = tpu.matmul %slice3A_60, %get3A_65, %dot_general3A_66 {dimension_numbers = #tpu.dot_dimension_numbers<[1], [0], [0], [1], [0, 0, 1, 1], [], []>, transpose_lhs_hint = false} : vector<256x128xf32>, vector<128x128xf32>, vector<256x128xf32> -> vector<256x128xf32>
    %slice3A_68 = vector.extract_strided_slice %concatenate3A_52 {offsets = [0, 256], sizes = [256, 128], strides = [1, 1]} : vector<256x5248xf32> to vector<256x128xf32>
    %get3A_69 = arith.constant 2 : index
    %get3A_70 = arith.constant 0 : index
    %get3A_71 = arith.constant 0 : index
    %get3A_72 = vector.load %arg2[%get3A_69, %get3A_70, %get3A_71] : memref<41x128x128xf32, #tpu.memory_space<vmem>>, vector<1x128x128xf32>
    %get3A_73 = vector.shape_cast %get3A_72 : vector<1x128x128xf32> to vector<128x128xf32>
    %dot_general3A_74 = arith.constant dense<0.000000e+00> : vector<256x128xf32>
    %dot_general3A_75 = tpu.matmul %slice3A_68, %get3A_73, %dot_general3A_74 {dimension_numbers = #tpu.dot_dimension_numbers<[1], [0], [0], [1], [0, 0, 1, 1], [], []>, transpose_lhs_hint = false} : vector<256x128xf32>, vector<128x128xf32>, vector<256x128xf32> -> vector<256x128xf32>
    %slice3A_76 = vector.extract_strided_slice %concatenate3A_52 {offsets = [0, 384], sizes = [256, 128], strides = [1, 1]} : vector<256x5248xf32> to vector<256x128xf32>
    %get3A_77 = arith.constant 3 : index
    %get3A_78 = arith.constant 0 : index
    %get3A_79 = arith.constant 0 : index
    %get3A_80 = vector.load %arg2[%get3A_77, %get3A_78, %get3A_79] : memref<41x128x128xf32, #tpu.memory_space<vmem>>, vector<1x128x128xf32>
    %get3A_81 = vector.shape_cast %get3A_80 : vector<1x128x128xf32> to vector<128x128xf32>
    %dot_general3A_82 = arith.constant dense<0.000000e+00> : vector<256x128xf32>
    %dot_general3A_83 = tpu.matmul %slice3A_76, %get3A_81, %dot_general3A_82 {dimension_numbers = #tpu.dot_dimension_numbers<[1], [0], [0], [1], [0, 0, 1, 1], [], []>, transpose_lhs_hint = false} : vector<256x128xf32>, vector<128x128xf32>, vector<256x128xf32> -> vector<256x128xf32>
    %slice3A_84 = vector.extract_strided_slice %concatenate3A_52 {offsets = [0, 512], sizes = [256, 128], strides = [1, 1]} : vector<256x5248xf32> to vector<256x128xf32>
    %get3A_85 = arith.constant 4 : index
    %get3A_86 = arith.constant 0 : index
    %get3A_87 = arith.constant 0 : index
    %get3A_88 = vector.load %arg2[%get3A_85, %get3A_86, %get3A_87] : memref<41x128x128xf32, #tpu.memory_space<vmem>>, vector<1x128x128xf32>
    %get3A_89 = vector.shape_cast %get3A_88 : vector<1x128x128xf32> to vector<128x128xf32>
    %dot_general3A_90 = arith.constant dense<0.000000e+00> : vector<256x128xf32>
    %dot_general3A_91 = tpu.matmul %slice3A_84, %get3A_89, %dot_general3A_90 {dimension_numbers = #tpu.dot_dimension_numbers<[1], [0], [0], [1], [0, 0, 1, 1], [], []>, transpose_lhs_hint = false} : vector<256x128xf32>, vector<128x128xf32>, vector<256x128xf32> -> vector<256x128xf32>
    %slice3A_92 = vector.extract_strided_slice %concatenate3A_52 {offsets = [0, 640], sizes = [256, 128], strides = [1, 1]} : vector<256x5248xf32> to vector<256x128xf32>
    %get3A_93 = arith.constant 5 : index
    %get3A_94 = arith.constant 0 : index
    %get3A_95 = arith.constant 0 : index
    %get3A_96 = vector.load %arg2[%get3A_93, %get3A_94, %get3A_95] : memref<41x128x128xf32, #tpu.memory_space<vmem>>, vector<1x128x128xf32>
    %get3A_97 = vector.shape_cast %get3A_96 : vector<1x128x128xf32> to vector<128x128xf32>
    %dot_general3A_98 = arith.constant dense<0.000000e+00> : vector<256x128xf32>
    %dot_general3A_99 = tpu.matmul %slice3A_92, %get3A_97, %dot_general3A_98 {dimension_numbers = #tpu.dot_dimension_numbers<[1], [0], [0], [1], [0, 0, 1, 1], [], []>, transpose_lhs_hint = false} : vector<256x128xf32>, vector<128x128xf32>, vector<256x128xf32> -> vector<256x128xf32>
    %slice3A_100 = vector.extract_strided_slice %concatenate3A_52 {offsets = [0, 768], sizes = [256, 128], strides = [1, 1]} : vector<256x5248xf32> to vector<256x128xf32>
    %get3A_101 = arith.constant 6 : index
    %get3A_102 = arith.constant 0 : index
    %get3A_103 = arith.constant 0 : index
    %get3A_104 = vector.load %arg2[%get3A_101, %get3A_102, %get3A_103] : memref<41x128x128xf32, #tpu.memory_space<vmem>>, vector<1x128x128xf32>
    %get3A_105 = vector.shape_cast %get3A_104 : vector<1x128x128xf32> to vector<128x128xf32>
    %dot_general3A_106 = arith.constant dense<0.000000e+00> : vector<256x128xf32>
    %dot_general3A_107 = tpu.matmul %slice3A_100, %get3A_105, %dot_general3A_106 {dimension_numbers = #tpu.dot_dimension_numbers<[1], [0], [0], [1], [0, 0, 1, 1], [], []>, transpose_lhs_hint = false} : vector<256x128xf32>, vector<128x128xf32>, vector<256x128xf32> -> vector<256x128xf32>
    %slice3A_108 = vector.extract_strided_slice %concatenate3A_52 {offsets = [0, 896], sizes = [256, 128], strides = [1, 1]} : vector<256x5248xf32> to vector<256x128xf32>
    %get3A_109 = arith.constant 7 : index
    %get3A_110 = arith.constant 0 : index
    %get3A_111 = arith.constant 0 : index
    %get3A_112 = vector.load %arg2[%get3A_109, %get3A_110, %get3A_111] : memref<41x128x128xf32, #tpu.memory_space<vmem>>, vector<1x128x128xf32>
    %get3A_113 = vector.shape_cast %get3A_112 : vector<1x128x128xf32> to vector<128x128xf32>
    %dot_general3A_114 = arith.constant dense<0.000000e+00> : vector<256x128xf32>
    %dot_general3A_115 = tpu.matmul %slice3A_108, %get3A_113, %dot_general3A_114 {dimension_numbers = #tpu.dot_dimension_numbers<[1], [0], [0], [1], [0, 0, 1, 1], [], []>, transpose_lhs_hint = false} : vector<256x128xf32>, vector<128x128xf32>, vector<256x128xf32> -> vector<256x128xf32>
    %slice3A_116 = vector.extract_strided_slice %concatenate3A_52 {offsets = [0, 1024], sizes = [256, 128], strides = [1, 1]} : vector<256x5248xf32> to vector<256x128xf32>
    %get3A_117 = arith.constant 8 : index
    %get3A_118 = arith.constant 0 : index
    %get3A_119 = arith.constant 0 : index
    %get3A_120 = vector.load %arg2[%get3A_117, %get3A_118, %get3A_119] : memref<41x128x128xf32, #tpu.memory_space<vmem>>, vector<1x128x128xf32>
    %get3A_121 = vector.shape_cast %get3A_120 : vector<1x128x128xf32> to vector<128x128xf32>
    %dot_general3A_122 = arith.constant dense<0.000000e+00> : vector<256x128xf32>
    %dot_general3A_123 = tpu.matmul %slice3A_116, %get3A_121, %dot_general3A_122 {dimension_numbers = #tpu.dot_dimension_numbers<[1], [0], [0], [1], [0, 0, 1, 1], [], []>, transpose_lhs_hint = false} : vector<256x128xf32>, vector<128x128xf32>, vector<256x128xf32> -> vector<256x128xf32>
    %slice3A_124 = vector.extract_strided_slice %concatenate3A_52 {offsets = [0, 1152], sizes = [256, 128], strides = [1, 1]} : vector<256x5248xf32> to vector<256x128xf32>
    %get3A_125 = arith.constant 9 : index
    %get3A_126 = arith.constant 0 : index
    %get3A_127 = arith.constant 0 : index
    %get3A_128 = vector.load %arg2[%get3A_125, %get3A_126, %get3A_127] : memref<41x128x128xf32, #tpu.memory_space<vmem>>, vector<1x128x128xf32>
    %get3A_129 = vector.shape_cast %get3A_128 : vector<1x128x128xf32> to vector<128x128xf32>
    %dot_general3A_130 = arith.constant dense<0.000000e+00> : vector<256x128xf32>
    %dot_general3A_131 = tpu.matmul %slice3A_124, %get3A_129, %dot_general3A_130 {dimension_numbers = #tpu.dot_dimension_numbers<[1], [0], [0], [1], [0, 0, 1, 1], [], []>, transpose_lhs_hint = false} : vector<256x128xf32>, vector<128x128xf32>, vector<256x128xf32> -> vector<256x128xf32>
    %slice3A_132 = vector.extract_strided_slice %concatenate3A_52 {offsets = [0, 1280], sizes = [256, 128], strides = [1, 1]} : vector<256x5248xf32> to vector<256x128xf32>
    %get3A_133 = arith.constant 10 : index
    %get3A_134 = arith.constant 0 : index
    %get3A_135 = arith.constant 0 : index
    %get3A_136 = vector.load %arg2[%get3A_133, %get3A_134, %get3A_135] : memref<41x128x128xf32, #tpu.memory_space<vmem>>, vector<1x128x128xf32>
    %get3A_137 = vector.shape_cast %get3A_136 : vector<1x128x128xf32> to vector<128x128xf32>
    %dot_general3A_138 = arith.constant dense<0.000000e+00> : vector<256x128xf32>
    %dot_general3A_139 = tpu.matmul %slice3A_132, %get3A_137, %dot_general3A_138 {dimension_numbers = #tpu.dot_dimension_numbers<[1], [0], [0], [1], [0, 0, 1, 1], [], []>, transpose_lhs_hint = false} : vector<256x128xf32>, vector<128x128xf32>, vector<256x128xf32> -> vector<256x128xf32>
    %slice3A_140 = vector.extract_strided_slice %concatenate3A_52 {offsets = [0, 1408], sizes = [256, 128], strides = [1, 1]} : vector<256x5248xf32> to vector<256x128xf32>
    %get3A_141 = arith.constant 11 : index
    %get3A_142 = arith.constant 0 : index
    %get3A_143 = arith.constant 0 : index
    %get3A_144 = vector.load %arg2[%get3A_141, %get3A_142, %get3A_143] : memref<41x128x128xf32, #tpu.memory_space<vmem>>, vector<1x128x128xf32>
    %get3A_145 = vector.shape_cast %get3A_144 : vector<1x128x128xf32> to vector<128x128xf32>
    %dot_general3A_146 = arith.constant dense<0.000000e+00> : vector<256x128xf32>
    %dot_general3A_147 = tpu.matmul %slice3A_140, %get3A_145, %dot_general3A_146 {dimension_numbers = #tpu.dot_dimension_numbers<[1], [0], [0], [1], [0, 0, 1, 1], [], []>, transpose_lhs_hint = false} : vector<256x128xf32>, vector<128x128xf32>, vector<256x128xf32> -> vector<256x128xf32>
    %slice3A_148 = vector.extract_strided_slice %concatenate3A_52 {offsets = [0, 1536], sizes = [256, 128], strides = [1, 1]} : vector<256x5248xf32> to vector<256x128xf32>
    %get3A_149 = arith.constant 12 : index
    %get3A_150 = arith.constant 0 : index
    %get3A_151 = arith.constant 0 : index
    %get3A_152 = vector.load %arg2[%get3A_149, %get3A_150, %get3A_151] : memref<41x128x128xf32, #tpu.memory_space<vmem>>, vector<1x128x128xf32>
    %get3A_153 = vector.shape_cast %get3A_152 : vector<1x128x128xf32> to vector<128x128xf32>
    %dot_general3A_154 = arith.constant dense<0.000000e+00> : vector<256x128xf32>
    %dot_general3A_155 = tpu.matmul %slice3A_148, %get3A_153, %dot_general3A_154 {dimension_numbers = #tpu.dot_dimension_numbers<[1], [0], [0], [1], [0, 0, 1, 1], [], []>, transpose_lhs_hint = false} : vector<256x128xf32>, vector<128x128xf32>, vector<256x128xf32> -> vector<256x128xf32>
    %slice3A_156 = vector.extract_strided_slice %concatenate3A_52 {offsets = [0, 1664], sizes = [256, 128], strides = [1, 1]} : vector<256x5248xf32> to vector<256x128xf32>
    %get3A_157 = arith.constant 13 : index
    %get3A_158 = arith.constant 0 : index
    %get3A_159 = arith.constant 0 : index
    %get3A_160 = vector.load %arg2[%get3A_157, %get3A_158, %get3A_159] : memref<41x128x128xf32, #tpu.memory_space<vmem>>, vector<1x128x128xf32>
    %get3A_161 = vector.shape_cast %get3A_160 : vector<1x128x128xf32> to vector<128x128xf32>
    %dot_general3A_162 = arith.constant dense<0.000000e+00> : vector<256x128xf32>
    %dot_general3A_163 = tpu.matmul %slice3A_156, %get3A_161, %dot_general3A_162 {dimension_numbers = #tpu.dot_dimension_numbers<[1], [0], [0], [1], [0, 0, 1, 1], [], []>, transpose_lhs_hint = false} : vector<256x128xf32>, vector<128x128xf32>, vector<256x128xf32> -> vector<256x128xf32>
    %slice3A_164 = vector.extract_strided_slice %concatenate3A_52 {offsets = [0, 1792], sizes = [256, 128], strides = [1, 1]} : vector<256x5248xf32> to vector<256x128xf32>
    %get3A_165 = arith.constant 14 : index
    %get3A_166 = arith.constant 0 : index
    %get3A_167 = arith.constant 0 : index
    %get3A_168 = vector.load %arg2[%get3A_165, %get3A_166, %get3A_167] : memref<41x128x128xf32, #tpu.memory_space<vmem>>, vector<1x128x128xf32>
    %get3A_169 = vector.shape_cast %get3A_168 : vector<1x128x128xf32> to vector<128x128xf32>
    %dot_general3A_170 = arith.constant dense<0.000000e+00> : vector<256x128xf32>
    %dot_general3A_171 = tpu.matmul %slice3A_164, %get3A_169, %dot_general3A_170 {dimension_numbers = #tpu.dot_dimension_numbers<[1], [0], [0], [1], [0, 0, 1, 1], [], []>, transpose_lhs_hint = false} : vector<256x128xf32>, vector<128x128xf32>, vector<256x128xf32> -> vector<256x128xf32>
    %slice3A_172 = vector.extract_strided_slice %concatenate3A_52 {offsets = [0, 1920], sizes = [256, 128], strides = [1, 1]} : vector<256x5248xf32> to vector<256x128xf32>
    %get3A_173 = arith.constant 15 : index
    %get3A_174 = arith.constant 0 : index
    %get3A_175 = arith.constant 0 : index
    %get3A_176 = vector.load %arg2[%get3A_173, %get3A_174, %get3A_175] : memref<41x128x128xf32, #tpu.memory_space<vmem>>, vector<1x128x128xf32>
    %get3A_177 = vector.shape_cast %get3A_176 : vector<1x128x128xf32> to vector<128x128xf32>
    %dot_general3A_178 = arith.constant dense<0.000000e+00> : vector<256x128xf32>
    %dot_general3A_179 = tpu.matmul %slice3A_172, %get3A_177, %dot_general3A_178 {dimension_numbers = #tpu.dot_dimension_numbers<[1], [0], [0], [1], [0, 0, 1, 1], [], []>, transpose_lhs_hint = false} : vector<256x128xf32>, vector<128x128xf32>, vector<256x128xf32> -> vector<256x128xf32>
    %slice3A_180 = vector.extract_strided_slice %concatenate3A_52 {offsets = [0, 2048], sizes = [256, 128], strides = [1, 1]} : vector<256x5248xf32> to vector<256x128xf32>
    %get3A_181 = arith.constant 16 : index
    %get3A_182 = arith.constant 0 : index
    %get3A_183 = arith.constant 0 : index
    %get3A_184 = vector.load %arg2[%get3A_181, %get3A_182, %get3A_183] : memref<41x128x128xf32, #tpu.memory_space<vmem>>, vector<1x128x128xf32>
    %get3A_185 = vector.shape_cast %get3A_184 : vector<1x128x128xf32> to vector<128x128xf32>
    %dot_general3A_186 = arith.constant dense<0.000000e+00> : vector<256x128xf32>
    %dot_general3A_187 = tpu.matmul %slice3A_180, %get3A_185, %dot_general3A_186 {dimension_numbers = #tpu.dot_dimension_numbers<[1], [0], [0], [1], [0, 0, 1, 1], [], []>, transpose_lhs_hint = false} : vector<256x128xf32>, vector<128x128xf32>, vector<256x128xf32> -> vector<256x128xf32>
    %slice3A_188 = vector.extract_strided_slice %concatenate3A_52 {offsets = [0, 2176], sizes = [256, 128], strides = [1, 1]} : vector<256x5248xf32> to vector<256x128xf32>
    %get3A_189 = arith.constant 17 : index
    %get3A_190 = arith.constant 0 : index
    %get3A_191 = arith.constant 0 : index
    %get3A_192 = vector.load %arg2[%get3A_189, %get3A_190, %get3A_191] : memref<41x128x128xf32, #tpu.memory_space<vmem>>, vector<1x128x128xf32>
    %get3A_193 = vector.shape_cast %get3A_192 : vector<1x128x128xf32> to vector<128x128xf32>
    %dot_general3A_194 = arith.constant dense<0.000000e+00> : vector<256x128xf32>
    %dot_general3A_195 = tpu.matmul %slice3A_188, %get3A_193, %dot_general3A_194 {dimension_numbers = #tpu.dot_dimension_numbers<[1], [0], [0], [1], [0, 0, 1, 1], [], []>, transpose_lhs_hint = false} : vector<256x128xf32>, vector<128x128xf32>, vector<256x128xf32> -> vector<256x128xf32>
    %slice3A_196 = vector.extract_strided_slice %concatenate3A_52 {offsets = [0, 2304], sizes = [256, 128], strides = [1, 1]} : vector<256x5248xf32> to vector<256x128xf32>
    %get3A_197 = arith.constant 18 : index
    %get3A_198 = arith.constant 0 : index
    %get3A_199 = arith.constant 0 : index
    %get3A_200 = vector.load %arg2[%get3A_197, %get3A_198, %get3A_199] : memref<41x128x128xf32, #tpu.memory_space<vmem>>, vector<1x128x128xf32>
    %get3A_201 = vector.shape_cast %get3A_200 : vector<1x128x128xf32> to vector<128x128xf32>
    %dot_general3A_202 = arith.constant dense<0.000000e+00> : vector<256x128xf32>
    %dot_general3A_203 = tpu.matmul %slice3A_196, %get3A_201, %dot_general3A_202 {dimension_numbers = #tpu.dot_dimension_numbers<[1], [0], [0], [1], [0, 0, 1, 1], [], []>, transpose_lhs_hint = false} : vector<256x128xf32>, vector<128x128xf32>, vector<256x128xf32> -> vector<256x128xf32>
    %slice3A_204 = vector.extract_strided_slice %concatenate3A_52 {offsets = [0, 2432], sizes = [256, 128], strides = [1, 1]} : vector<256x5248xf32> to vector<256x128xf32>
    %get3A_205 = arith.constant 19 : index
    %get3A_206 = arith.constant 0 : index
    %get3A_207 = arith.constant 0 : index
    %get3A_208 = vector.load %arg2[%get3A_205, %get3A_206, %get3A_207] : memref<41x128x128xf32, #tpu.memory_space<vmem>>, vector<1x128x128xf32>
    %get3A_209 = vector.shape_cast %get3A_208 : vector<1x128x128xf32> to vector<128x128xf32>
    %dot_general3A_210 = arith.constant dense<0.000000e+00> : vector<256x128xf32>
    %dot_general3A_211 = tpu.matmul %slice3A_204, %get3A_209, %dot_general3A_210 {dimension_numbers = #tpu.dot_dimension_numbers<[1], [0], [0], [1], [0, 0, 1, 1], [], []>, transpose_lhs_hint = false} : vector<256x128xf32>, vector<128x128xf32>, vector<256x128xf32> -> vector<256x128xf32>
    %slice3A_212 = vector.extract_strided_slice %concatenate3A_52 {offsets = [0, 2560], sizes = [256, 128], strides = [1, 1]} : vector<256x5248xf32> to vector<256x128xf32>
    %get3A_213 = arith.constant 20 : index
    %get3A_214 = arith.constant 0 : index
    %get3A_215 = arith.constant 0 : index
    %get3A_216 = vector.load %arg2[%get3A_213, %get3A_214, %get3A_215] : memref<41x128x128xf32, #tpu.memory_space<vmem>>, vector<1x128x128xf32>
    %get3A_217 = vector.shape_cast %get3A_216 : vector<1x128x128xf32> to vector<128x128xf32>
    %dot_general3A_218 = arith.constant dense<0.000000e+00> : vector<256x128xf32>
    %dot_general3A_219 = tpu.matmul %slice3A_212, %get3A_217, %dot_general3A_218 {dimension_numbers = #tpu.dot_dimension_numbers<[1], [0], [0], [1], [0, 0, 1, 1], [], []>, transpose_lhs_hint = false} : vector<256x128xf32>, vector<128x128xf32>, vector<256x128xf32> -> vector<256x128xf32>
    %slice3A_220 = vector.extract_strided_slice %concatenate3A_52 {offsets = [0, 2688], sizes = [256, 128], strides = [1, 1]} : vector<256x5248xf32> to vector<256x128xf32>
    %get3A_221 = arith.constant 21 : index
    %get3A_222 = arith.constant 0 : index
    %get3A_223 = arith.constant 0 : index
    %get3A_224 = vector.load %arg2[%get3A_221, %get3A_222, %get3A_223] : memref<41x128x128xf32, #tpu.memory_space<vmem>>, vector<1x128x128xf32>
    %get3A_225 = vector.shape_cast %get3A_224 : vector<1x128x128xf32> to vector<128x128xf32>
    %dot_general3A_226 = arith.constant dense<0.000000e+00> : vector<256x128xf32>
    %dot_general3A_227 = tpu.matmul %slice3A_220, %get3A_225, %dot_general3A_226 {dimension_numbers = #tpu.dot_dimension_numbers<[1], [0], [0], [1], [0, 0, 1, 1], [], []>, transpose_lhs_hint = false} : vector<256x128xf32>, vector<128x128xf32>, vector<256x128xf32> -> vector<256x128xf32>
    %slice3A_228 = vector.extract_strided_slice %concatenate3A_52 {offsets = [0, 2816], sizes = [256, 128], strides = [1, 1]} : vector<256x5248xf32> to vector<256x128xf32>
    %get3A_229 = arith.constant 22 : index
    %get3A_230 = arith.constant 0 : index
    %get3A_231 = arith.constant 0 : index
    %get3A_232 = vector.load %arg2[%get3A_229, %get3A_230, %get3A_231] : memref<41x128x128xf32, #tpu.memory_space<vmem>>, vector<1x128x128xf32>
    %get3A_233 = vector.shape_cast %get3A_232 : vector<1x128x128xf32> to vector<128x128xf32>
    %dot_general3A_234 = arith.constant dense<0.000000e+00> : vector<256x128xf32>
    %dot_general3A_235 = tpu.matmul %slice3A_228, %get3A_233, %dot_general3A_234 {dimension_numbers = #tpu.dot_dimension_numbers<[1], [0], [0], [1], [0, 0, 1, 1], [], []>, transpose_lhs_hint = false} : vector<256x128xf32>, vector<128x128xf32>, vector<256x128xf32> -> vector<256x128xf32>
    %slice3A_236 = vector.extract_strided_slice %concatenate3A_52 {offsets = [0, 2944], sizes = [256, 128], strides = [1, 1]} : vector<256x5248xf32> to vector<256x128xf32>
    %get3A_237 = arith.constant 23 : index
    %get3A_238 = arith.constant 0 : index
    %get3A_239 = arith.constant 0 : index
    %get3A_240 = vector.load %arg2[%get3A_237, %get3A_238, %get3A_239] : memref<41x128x128xf32, #tpu.memory_space<vmem>>, vector<1x128x128xf32>
    %get3A_241 = vector.shape_cast %get3A_240 : vector<1x128x128xf32> to vector<128x128xf32>
    %dot_general3A_242 = arith.constant dense<0.000000e+00> : vector<256x128xf32>
    %dot_general3A_243 = tpu.matmul %slice3A_236, %get3A_241, %dot_general3A_242 {dimension_numbers = #tpu.dot_dimension_numbers<[1], [0], [0], [1], [0, 0, 1, 1], [], []>, transpose_lhs_hint = false} : vector<256x128xf32>, vector<128x128xf32>, vector<256x128xf32> -> vector<256x128xf32>
    %slice3A_244 = vector.extract_strided_slice %concatenate3A_52 {offsets = [0, 3072], sizes = [256, 128], strides = [1, 1]} : vector<256x5248xf32> to vector<256x128xf32>
    %get3A_245 = arith.constant 24 : index
    %get3A_246 = arith.constant 0 : index
    %get3A_247 = arith.constant 0 : index
    %get3A_248 = vector.load %arg2[%get3A_245, %get3A_246, %get3A_247] : memref<41x128x128xf32, #tpu.memory_space<vmem>>, vector<1x128x128xf32>
    %get3A_249 = vector.shape_cast %get3A_248 : vector<1x128x128xf32> to vector<128x128xf32>
    %dot_general3A_250 = arith.constant dense<0.000000e+00> : vector<256x128xf32>
    %dot_general3A_251 = tpu.matmul %slice3A_244, %get3A_249, %dot_general3A_250 {dimension_numbers = #tpu.dot_dimension_numbers<[1], [0], [0], [1], [0, 0, 1, 1], [], []>, transpose_lhs_hint = false} : vector<256x128xf32>, vector<128x128xf32>, vector<256x128xf32> -> vector<256x128xf32>
    %slice3A_252 = vector.extract_strided_slice %concatenate3A_52 {offsets = [0, 3200], sizes = [256, 128], strides = [1, 1]} : vector<256x5248xf32> to vector<256x128xf32>
    %get3A_253 = arith.constant 25 : index
    %get3A_254 = arith.constant 0 : index
    %get3A_255 = arith.constant 0 : index
    %get3A_256 = vector.load %arg2[%get3A_253, %get3A_254, %get3A_255] : memref<41x128x128xf32, #tpu.memory_space<vmem>>, vector<1x128x128xf32>
    %get3A_257 = vector.shape_cast %get3A_256 : vector<1x128x128xf32> to vector<128x128xf32>
    %dot_general3A_258 = arith.constant dense<0.000000e+00> : vector<256x128xf32>
    %dot_general3A_259 = tpu.matmul %slice3A_252, %get3A_257, %dot_general3A_258 {dimension_numbers = #tpu.dot_dimension_numbers<[1], [0], [0], [1], [0, 0, 1, 1], [], []>, transpose_lhs_hint = false} : vector<256x128xf32>, vector<128x128xf32>, vector<256x128xf32> -> vector<256x128xf32>
    %slice3A_260 = vector.extract_strided_slice %concatenate3A_52 {offsets = [0, 3328], sizes = [256, 128], strides = [1, 1]} : vector<256x5248xf32> to vector<256x128xf32>
    %get3A_261 = arith.constant 26 : index
    %get3A_262 = arith.constant 0 : index
    %get3A_263 = arith.constant 0 : index
    %get3A_264 = vector.load %arg2[%get3A_261, %get3A_262, %get3A_263] : memref<41x128x128xf32, #tpu.memory_space<vmem>>, vector<1x128x128xf32>
    %get3A_265 = vector.shape_cast %get3A_264 : vector<1x128x128xf32> to vector<128x128xf32>
    %dot_general3A_266 = arith.constant dense<0.000000e+00> : vector<256x128xf32>
    %dot_general3A_267 = tpu.matmul %slice3A_260, %get3A_265, %dot_general3A_266 {dimension_numbers = #tpu.dot_dimension_numbers<[1], [0], [0], [1], [0, 0, 1, 1], [], []>, transpose_lhs_hint = false} : vector<256x128xf32>, vector<128x128xf32>, vector<256x128xf32> -> vector<256x128xf32>
    %slice3A_268 = vector.extract_strided_slice %concatenate3A_52 {offsets = [0, 3456], sizes = [256, 128], strides = [1, 1]} : vector<256x5248xf32> to vector<256x128xf32>
    %get3A_269 = arith.constant 27 : index
    %get3A_270 = arith.constant 0 : index
    %get3A_271 = arith.constant 0 : index
    %get3A_272 = vector.load %arg2[%get3A_269, %get3A_270, %get3A_271] : memref<41x128x128xf32, #tpu.memory_space<vmem>>, vector<1x128x128xf32>
    %get3A_273 = vector.shape_cast %get3A_272 : vector<1x128x128xf32> to vector<128x128xf32>
    %dot_general3A_274 = arith.constant dense<0.000000e+00> : vector<256x128xf32>
    %dot_general3A_275 = tpu.matmul %slice3A_268, %get3A_273, %dot_general3A_274 {dimension_numbers = #tpu.dot_dimension_numbers<[1], [0], [0], [1], [0, 0, 1, 1], [], []>, transpose_lhs_hint = false} : vector<256x128xf32>, vector<128x128xf32>, vector<256x128xf32> -> vector<256x128xf32>
    %slice3A_276 = vector.extract_strided_slice %concatenate3A_52 {offsets = [0, 3584], sizes = [256, 128], strides = [1, 1]} : vector<256x5248xf32> to vector<256x128xf32>
    %get3A_277 = arith.constant 28 : index
    %get3A_278 = arith.constant 0 : index
    %get3A_279 = arith.constant 0 : index
    %get3A_280 = vector.load %arg2[%get3A_277, %get3A_278, %get3A_279] : memref<41x128x128xf32, #tpu.memory_space<vmem>>, vector<1x128x128xf32>
    %get3A_281 = vector.shape_cast %get3A_280 : vector<1x128x128xf32> to vector<128x128xf32>
    %dot_general3A_282 = arith.constant dense<0.000000e+00> : vector<256x128xf32>
    %dot_general3A_283 = tpu.matmul %slice3A_276, %get3A_281, %dot_general3A_282 {dimension_numbers = #tpu.dot_dimension_numbers<[1], [0], [0], [1], [0, 0, 1, 1], [], []>, transpose_lhs_hint = false} : vector<256x128xf32>, vector<128x128xf32>, vector<256x128xf32> -> vector<256x128xf32>
    %slice3A_284 = vector.extract_strided_slice %concatenate3A_52 {offsets = [0, 3712], sizes = [256, 128], strides = [1, 1]} : vector<256x5248xf32> to vector<256x128xf32>
    %get3A_285 = arith.constant 29 : index
    %get3A_286 = arith.constant 0 : index
    %get3A_287 = arith.constant 0 : index
    %get3A_288 = vector.load %arg2[%get3A_285, %get3A_286, %get3A_287] : memref<41x128x128xf32, #tpu.memory_space<vmem>>, vector<1x128x128xf32>
    %get3A_289 = vector.shape_cast %get3A_288 : vector<1x128x128xf32> to vector<128x128xf32>
    %dot_general3A_290 = arith.constant dense<0.000000e+00> : vector<256x128xf32>
    %dot_general3A_291 = tpu.matmul %slice3A_284, %get3A_289, %dot_general3A_290 {dimension_numbers = #tpu.dot_dimension_numbers<[1], [0], [0], [1], [0, 0, 1, 1], [], []>, transpose_lhs_hint = false} : vector<256x128xf32>, vector<128x128xf32>, vector<256x128xf32> -> vector<256x128xf32>
    %slice3A_292 = vector.extract_strided_slice %concatenate3A_52 {offsets = [0, 3840], sizes = [256, 128], strides = [1, 1]} : vector<256x5248xf32> to vector<256x128xf32>
    %get3A_293 = arith.constant 30 : index
    %get3A_294 = arith.constant 0 : index
    %get3A_295 = arith.constant 0 : index
    %get3A_296 = vector.load %arg2[%get3A_293, %get3A_294, %get3A_295] : memref<41x128x128xf32, #tpu.memory_space<vmem>>, vector<1x128x128xf32>
    %get3A_297 = vector.shape_cast %get3A_296 : vector<1x128x128xf32> to vector<128x128xf32>
    %dot_general3A_298 = arith.constant dense<0.000000e+00> : vector<256x128xf32>
    %dot_general3A_299 = tpu.matmul %slice3A_292, %get3A_297, %dot_general3A_298 {dimension_numbers = #tpu.dot_dimension_numbers<[1], [0], [0], [1], [0, 0, 1, 1], [], []>, transpose_lhs_hint = false} : vector<256x128xf32>, vector<128x128xf32>, vector<256x128xf32> -> vector<256x128xf32>
    %slice3A_300 = vector.extract_strided_slice %concatenate3A_52 {offsets = [0, 3968], sizes = [256, 128], strides = [1, 1]} : vector<256x5248xf32> to vector<256x128xf32>
    %get3A_301 = arith.constant 31 : index
    %get3A_302 = arith.constant 0 : index
    %get3A_303 = arith.constant 0 : index
    %get3A_304 = vector.load %arg2[%get3A_301, %get3A_302, %get3A_303] : memref<41x128x128xf32, #tpu.memory_space<vmem>>, vector<1x128x128xf32>
    %get3A_305 = vector.shape_cast %get3A_304 : vector<1x128x128xf32> to vector<128x128xf32>
    %dot_general3A_306 = arith.constant dense<0.000000e+00> : vector<256x128xf32>
    %dot_general3A_307 = tpu.matmul %slice3A_300, %get3A_305, %dot_general3A_306 {dimension_numbers = #tpu.dot_dimension_numbers<[1], [0], [0], [1], [0, 0, 1, 1], [], []>, transpose_lhs_hint = false} : vector<256x128xf32>, vector<128x128xf32>, vector<256x128xf32> -> vector<256x128xf32>
    %slice3A_308 = vector.extract_strided_slice %concatenate3A_52 {offsets = [0, 4096], sizes = [256, 128], strides = [1, 1]} : vector<256x5248xf32> to vector<256x128xf32>
    %get3A_309 = arith.constant 32 : index
    %get3A_310 = arith.constant 0 : index
    %get3A_311 = arith.constant 0 : index
    %get3A_312 = vector.load %arg2[%get3A_309, %get3A_310, %get3A_311] : memref<41x128x128xf32, #tpu.memory_space<vmem>>, vector<1x128x128xf32>
    %get3A_313 = vector.shape_cast %get3A_312 : vector<1x128x128xf32> to vector<128x128xf32>
    %dot_general3A_314 = arith.constant dense<0.000000e+00> : vector<256x128xf32>
    %dot_general3A_315 = tpu.matmul %slice3A_308, %get3A_313, %dot_general3A_314 {dimension_numbers = #tpu.dot_dimension_numbers<[1], [0], [0], [1], [0, 0, 1, 1], [], []>, transpose_lhs_hint = false} : vector<256x128xf32>, vector<128x128xf32>, vector<256x128xf32> -> vector<256x128xf32>
    %slice3A_316 = vector.extract_strided_slice %concatenate3A_52 {offsets = [0, 4224], sizes = [256, 128], strides = [1, 1]} : vector<256x5248xf32> to vector<256x128xf32>
    %get3A_317 = arith.constant 33 : index
    %get3A_318 = arith.constant 0 : index
    %get3A_319 = arith.constant 0 : index
    %get3A_320 = vector.load %arg2[%get3A_317, %get3A_318, %get3A_319] : memref<41x128x128xf32, #tpu.memory_space<vmem>>, vector<1x128x128xf32>
    %get3A_321 = vector.shape_cast %get3A_320 : vector<1x128x128xf32> to vector<128x128xf32>
    %dot_general3A_322 = arith.constant dense<0.000000e+00> : vector<256x128xf32>
    %dot_general3A_323 = tpu.matmul %slice3A_316, %get3A_321, %dot_general3A_322 {dimension_numbers = #tpu.dot_dimension_numbers<[1], [0], [0], [1], [0, 0, 1, 1], [], []>, transpose_lhs_hint = false} : vector<256x128xf32>, vector<128x128xf32>, vector<256x128xf32> -> vector<256x128xf32>
    %slice3A_324 = vector.extract_strided_slice %concatenate3A_52 {offsets = [0, 4352], sizes = [256, 128], strides = [1, 1]} : vector<256x5248xf32> to vector<256x128xf32>
    %get3A_325 = arith.constant 34 : index
    %get3A_326 = arith.constant 0 : index
    %get3A_327 = arith.constant 0 : index
    %get3A_328 = vector.load %arg2[%get3A_325, %get3A_326, %get3A_327] : memref<41x128x128xf32, #tpu.memory_space<vmem>>, vector<1x128x128xf32>
    %get3A_329 = vector.shape_cast %get3A_328 : vector<1x128x128xf32> to vector<128x128xf32>
    %dot_general3A_330 = arith.constant dense<0.000000e+00> : vector<256x128xf32>
    %dot_general3A_331 = tpu.matmul %slice3A_324, %get3A_329, %dot_general3A_330 {dimension_numbers = #tpu.dot_dimension_numbers<[1], [0], [0], [1], [0, 0, 1, 1], [], []>, transpose_lhs_hint = false} : vector<256x128xf32>, vector<128x128xf32>, vector<256x128xf32> -> vector<256x128xf32>
    %slice3A_332 = vector.extract_strided_slice %concatenate3A_52 {offsets = [0, 4480], sizes = [256, 128], strides = [1, 1]} : vector<256x5248xf32> to vector<256x128xf32>
    %get3A_333 = arith.constant 35 : index
    %get3A_334 = arith.constant 0 : index
    %get3A_335 = arith.constant 0 : index
    %get3A_336 = vector.load %arg2[%get3A_333, %get3A_334, %get3A_335] : memref<41x128x128xf32, #tpu.memory_space<vmem>>, vector<1x128x128xf32>
    %get3A_337 = vector.shape_cast %get3A_336 : vector<1x128x128xf32> to vector<128x128xf32>
    %dot_general3A_338 = arith.constant dense<0.000000e+00> : vector<256x128xf32>
    %dot_general3A_339 = tpu.matmul %slice3A_332, %get3A_337, %dot_general3A_338 {dimension_numbers = #tpu.dot_dimension_numbers<[1], [0], [0], [1], [0, 0, 1, 1], [], []>, transpose_lhs_hint = false} : vector<256x128xf32>, vector<128x128xf32>, vector<256x128xf32> -> vector<256x128xf32>
    %slice3A_340 = vector.extract_strided_slice %concatenate3A_52 {offsets = [0, 4608], sizes = [256, 128], strides = [1, 1]} : vector<256x5248xf32> to vector<256x128xf32>
    %get3A_341 = arith.constant 36 : index
    %get3A_342 = arith.constant 0 : index
    %get3A_343 = arith.constant 0 : index
    %get3A_344 = vector.load %arg2[%get3A_341, %get3A_342, %get3A_343] : memref<41x128x128xf32, #tpu.memory_space<vmem>>, vector<1x128x128xf32>
    %get3A_345 = vector.shape_cast %get3A_344 : vector<1x128x128xf32> to vector<128x128xf32>
    %dot_general3A_346 = arith.constant dense<0.000000e+00> : vector<256x128xf32>
    %dot_general3A_347 = tpu.matmul %slice3A_340, %get3A_345, %dot_general3A_346 {dimension_numbers = #tpu.dot_dimension_numbers<[1], [0], [0], [1], [0, 0, 1, 1], [], []>, transpose_lhs_hint = false} : vector<256x128xf32>, vector<128x128xf32>, vector<256x128xf32> -> vector<256x128xf32>
    %slice3A_348 = vector.extract_strided_slice %concatenate3A_52 {offsets = [0, 4736], sizes = [256, 128], strides = [1, 1]} : vector<256x5248xf32> to vector<256x128xf32>
    %get3A_349 = arith.constant 37 : index
    %get3A_350 = arith.constant 0 : index
    %get3A_351 = arith.constant 0 : index
    %get3A_352 = vector.load %arg2[%get3A_349, %get3A_350, %get3A_351] : memref<41x128x128xf32, #tpu.memory_space<vmem>>, vector<1x128x128xf32>
    %get3A_353 = vector.shape_cast %get3A_352 : vector<1x128x128xf32> to vector<128x128xf32>
    %dot_general3A_354 = arith.constant dense<0.000000e+00> : vector<256x128xf32>
    %dot_general3A_355 = tpu.matmul %slice3A_348, %get3A_353, %dot_general3A_354 {dimension_numbers = #tpu.dot_dimension_numbers<[1], [0], [0], [1], [0, 0, 1, 1], [], []>, transpose_lhs_hint = false} : vector<256x128xf32>, vector<128x128xf32>, vector<256x128xf32> -> vector<256x128xf32>
    %slice3A_356 = vector.extract_strided_slice %concatenate3A_52 {offsets = [0, 4864], sizes = [256, 128], strides = [1, 1]} : vector<256x5248xf32> to vector<256x128xf32>
    %get3A_357 = arith.constant 38 : index
    %get3A_358 = arith.constant 0 : index
    %get3A_359 = arith.constant 0 : index
    %get3A_360 = vector.load %arg2[%get3A_357, %get3A_358, %get3A_359] : memref<41x128x128xf32, #tpu.memory_space<vmem>>, vector<1x128x128xf32>
    %get3A_361 = vector.shape_cast %get3A_360 : vector<1x128x128xf32> to vector<128x128xf32>
    %dot_general3A_362 = arith.constant dense<0.000000e+00> : vector<256x128xf32>
    %dot_general3A_363 = tpu.matmul %slice3A_356, %get3A_361, %dot_general3A_362 {dimension_numbers = #tpu.dot_dimension_numbers<[1], [0], [0], [1], [0, 0, 1, 1], [], []>, transpose_lhs_hint = false} : vector<256x128xf32>, vector<128x128xf32>, vector<256x128xf32> -> vector<256x128xf32>
    %slice3A_364 = vector.extract_strided_slice %concatenate3A_52 {offsets = [0, 4992], sizes = [256, 128], strides = [1, 1]} : vector<256x5248xf32> to vector<256x128xf32>
    %get3A_365 = arith.constant 39 : index
    %get3A_366 = arith.constant 0 : index
    %get3A_367 = arith.constant 0 : index
    %get3A_368 = vector.load %arg2[%get3A_365, %get3A_366, %get3A_367] : memref<41x128x128xf32, #tpu.memory_space<vmem>>, vector<1x128x128xf32>
    %get3A_369 = vector.shape_cast %get3A_368 : vector<1x128x128xf32> to vector<128x128xf32>
    %dot_general3A_370 = arith.constant dense<0.000000e+00> : vector<256x128xf32>
    %dot_general3A_371 = tpu.matmul %slice3A_364, %get3A_369, %dot_general3A_370 {dimension_numbers = #tpu.dot_dimension_numbers<[1], [0], [0], [1], [0, 0, 1, 1], [], []>, transpose_lhs_hint = false} : vector<256x128xf32>, vector<128x128xf32>, vector<256x128xf32> -> vector<256x128xf32>
    %slice3A_372 = vector.extract_strided_slice %concatenate3A_52 {offsets = [0, 5120], sizes = [256, 128], strides = [1, 1]} : vector<256x5248xf32> to vector<256x128xf32>
    %get3A_373 = arith.constant 40 : index
    %get3A_374 = arith.constant 0 : index
    %get3A_375 = arith.constant 0 : index
    %get3A_376 = vector.load %arg2[%get3A_373, %get3A_374, %get3A_375] : memref<41x128x128xf32, #tpu.memory_space<vmem>>, vector<1x128x128xf32>
    %get3A_377 = vector.shape_cast %get3A_376 : vector<1x128x128xf32> to vector<128x128xf32>
    %dot_general3A_378 = arith.constant dense<0.000000e+00> : vector<256x128xf32>
    %dot_general3A_379 = tpu.matmul %slice3A_372, %get3A_377, %dot_general3A_378 {dimension_numbers = #tpu.dot_dimension_numbers<[1], [0], [0], [1], [0, 0, 1, 1], [], []>, transpose_lhs_hint = false} : vector<256x128xf32>, vector<128x128xf32>, vector<256x128xf32> -> vector<256x128xf32>
    %concatenate3A_380 = tpu.concatenate %dot_general3A_59, %dot_general3A_67, %dot_general3A_75, %dot_general3A_83, %dot_general3A_91, %dot_general3A_99, %dot_general3A_107, %dot_general3A_115, %dot_general3A_123, %dot_general3A_131, %dot_general3A_139, %dot_general3A_147, %dot_general3A_155, %dot_general3A_163, %dot_general3A_171, %dot_general3A_179, %dot_general3A_187, %dot_general3A_195, %dot_general3A_203, %dot_general3A_211, %dot_general3A_219, %dot_general3A_227, %dot_general3A_235, %dot_general3A_243, %dot_general3A_251, %dot_general3A_259, %dot_general3A_267, %dot_general3A_275, %dot_general3A_283, %dot_general3A_291, %dot_general3A_299, %dot_general3A_307, %dot_general3A_315, %dot_general3A_323, %dot_general3A_331, %dot_general3A_339, %dot_general3A_347, %dot_general3A_355, %dot_general3A_363, %dot_general3A_371, %dot_general3A_379 in 1 : vector<256x128xf32>, vector<256x128xf32>, vector<256x128xf32>, vector<256x128xf32>, vector<256x128xf32>, vector<256x128xf32>, vector<256x128xf32>, vector<256x128xf32>, vector<256x128xf32>, vector<256x128xf32>, vector<256x128xf32>, vector<256x128xf32>, vector<256x128xf32>, vector<256x128xf32>, vector<256x128xf32>, vector<256x128xf32>, vector<256x128xf32>, vector<256x128xf32>, vector<256x128xf32>, vector<256x128xf32>, vector<256x128xf32>, vector<256x128xf32>, vector<256x128xf32>, vector<256x128xf32>, vector<256x128xf32>, vector<256x128xf32>, vector<256x128xf32>, vector<256x128xf32>, vector<256x128xf32>, vector<256x128xf32>, vector<256x128xf32>, vector<256x128xf32>, vector<256x128xf32>, vector<256x128xf32>, vector<256x128xf32>, vector<256x128xf32>, vector<256x128xf32>, vector<256x128xf32>, vector<256x128xf32>, vector<256x128xf32>, vector<256x128xf32> -> vector<256x5248xf32>
    %mul3A = arith.mulf %concatenate3A_52, %concatenate3A : vector<256x5248xf32>
    %mul3A_381 = arith.mulf %concatenate3A_380, %concatenate3A : vector<256x5248xf32>
    %get3A_382 = arith.constant 0 : index
    %get3A_383 = arith.constant 0 : index
    %get3A_384 = vector.load %arg3[%get3A_382, %get3A_383] : memref<416x400xf32, #tpu.memory_space<vmem>>, vector<416x400xf32>
    %dot_general3A_385 = arith.constant dense<0.000000e+00> : vector<256x400xf32>
    %dot_general3A_386 = tpu.matmul %get3A_1, %get3A_384, %dot_general3A_385 {dimension_numbers = #tpu.dot_dimension_numbers<[1], [0], [0], [1], [0, 0, 1, 1], [], []>, transpose_lhs_hint = false} : vector<256x416xf32>, vector<416x400xf32>, vector<256x400xf32> -> vector<256x400xf32>
    %get3A_387 = arith.constant 0 : index
    %get3A_388 = arith.constant 0 : index
    %get3A_389 = vector.load %arg4[%get3A_387, %get3A_388] : memref<5248x400xf32, #tpu.memory_space<vmem>>, vector<5248x400xf32>
    %dot_general3A_390 = arith.constant dense<0.000000e+00> : vector<256x400xf32>
    %dot_general3A_391 = tpu.matmul %mul3A, %get3A_389, %dot_general3A_390 {dimension_numbers = #tpu.dot_dimension_numbers<[1], [0], [0], [1], [0, 0, 1, 1], [], []>, transpose_lhs_hint = false} : vector<256x5248xf32>, vector<5248x400xf32>, vector<256x400xf32> -> vector<256x400xf32>
    %add3A = arith.addf %dot_general3A_386, %dot_general3A_391 : vector<256x400xf32>
    %get3A_392 = arith.constant 0 : index
    %get3A_393 = arith.constant 0 : index
    %get3A_394 = vector.load %arg5[%get3A_392, %get3A_393] : memref<5248x400xf32, #tpu.memory_space<vmem>>, vector<5248x400xf32>
    %dot_general3A_395 = arith.constant dense<0.000000e+00> : vector<256x400xf32>
    %dot_general3A_396 = tpu.matmul %mul3A_381, %get3A_394, %dot_general3A_395 {dimension_numbers = #tpu.dot_dimension_numbers<[1], [0], [0], [1], [0, 0, 1, 1], [], []>, transpose_lhs_hint = false} : vector<256x5248xf32>, vector<5248x400xf32>, vector<256x400xf32> -> vector<256x400xf32>
    %add3A_397 = arith.addf %add3A, %dot_general3A_396 : vector<256x400xf32>
    %get3A_398 = arith.constant 0 : index
    %get3A_399 = arith.constant 0 : index
    %get3A_400 = vector.load %arg6[%get3A_398, %get3A_399] : memref<1x400xf32, #tpu.memory_space<vmem>>, vector<1x400xf32>
    %add3A_401 = vector.broadcast %get3A_400 : vector<1x400xf32> to vector<256x400xf32>
    %add3A_402 = arith.addf %add3A_397, %add3A_401 : vector<256x400xf32>
    %max3A = arith.constant 0.000000e+00 : f32
    %max3A_403 = vector.broadcast %max3A : f32 to vector<256x400xf32>
    %max3A_404 = arith.maximumf %add3A_402, %max3A_403 : vector<256x400xf32>
    %get3A_405 = arith.constant 0 : index
    %get3A_406 = arith.constant 0 : index
    %get3A_407 = vector.load %arg7[%get3A_405, %get3A_406] : memref<400x400xf32, #tpu.memory_space<vmem>>, vector<400x400xf32>
    %dot_general3A_408 = arith.constant dense<0.000000e+00> : vector<256x400xf32>
    %dot_general3A_409 = tpu.matmul %max3A_404, %get3A_407, %dot_general3A_408 {dimension_numbers = #tpu.dot_dimension_numbers<[1], [0], [0], [1], [0, 0, 1, 1], [], []>, transpose_lhs_hint = false} : vector<256x400xf32>, vector<400x400xf32>, vector<256x400xf32> -> vector<256x400xf32>
    %get3A_410 = arith.constant 0 : index
    %get3A_411 = arith.constant 0 : index
    %get3A_412 = vector.load %arg8[%get3A_410, %get3A_411] : memref<1x400xf32, #tpu.memory_space<vmem>>, vector<1x400xf32>
    %add3A_413 = vector.broadcast %get3A_412 : vector<1x400xf32> to vector<256x400xf32>
    %add3A_414 = arith.addf %dot_general3A_409, %add3A_413 : vector<256x400xf32>
    %max3A_415 = arith.constant 0.000000e+00 : f32
    %max3A_416 = vector.broadcast %max3A_415 : f32 to vector<256x400xf32>
    %max3A_417 = arith.maximumf %add3A_414, %max3A_416 : vector<256x400xf32>
    %get3A_418 = arith.constant 0 : index
    %get3A_419 = arith.constant 0 : index
    %get3A_420 = vector.load %arg9[%get3A_418, %get3A_419] : memref<400x400xf32, #tpu.memory_space<vmem>>, vector<400x400xf32>
    %dot_general3A_421 = arith.constant dense<0.000000e+00> : vector<256x400xf32>
    %dot_general3A_422 = tpu.matmul %max3A_417, %get3A_420, %dot_general3A_421 {dimension_numbers = #tpu.dot_dimension_numbers<[1], [0], [0], [1], [0, 0, 1, 1], [], []>, transpose_lhs_hint = false} : vector<256x400xf32>, vector<400x400xf32>, vector<256x400xf32> -> vector<256x400xf32>
    %get3A_423 = arith.constant 0 : index
    %get3A_424 = arith.constant 0 : index
    %get3A_425 = vector.load %arg10[%get3A_423, %get3A_424] : memref<1x400xf32, #tpu.memory_space<vmem>>, vector<1x400xf32>
    %add3A_426 = vector.broadcast %get3A_425 : vector<1x400xf32> to vector<256x400xf32>
    %add3A_427 = arith.addf %dot_general3A_422, %add3A_426 : vector<256x400xf32>
    %max3A_428 = arith.constant 0.000000e+00 : f32
    %max3A_429 = vector.broadcast %max3A_428 : f32 to vector<256x400xf32>
    %max3A_430 = arith.maximumf %add3A_427, %max3A_429 : vector<256x400xf32>
    %get3A_431 = arith.constant 0 : index
    %get3A_432 = arith.constant 0 : index
    %get3A_433 = vector.load %arg11[%get3A_431, %get3A_432] : memref<400x1xf32, #tpu.memory_space<vmem>>, vector<400x1xf32>
    %dot_general3A_434 = arith.constant dense<0.000000e+00> : vector<256x1xf32>
    %dot_general3A_435 = tpu.matmul %max3A_430, %get3A_433, %dot_general3A_434 {dimension_numbers = #tpu.dot_dimension_numbers<[1], [0], [0], [1], [0, 0, 1, 1], [], []>, transpose_lhs_hint = false} : vector<256x400xf32>, vector<400x1xf32>, vector<256x1xf32> -> vector<256x1xf32>
    %get3A_436 = arith.constant 0 : index
    %get3A_437 = arith.constant 0 : index
    %get3A_438 = vector.load %arg12[%get3A_436, %get3A_437] : memref<1x1xf32, #tpu.memory_space<vmem>>, vector<1x1xf32>
    %add3A_439 = vector.broadcast %get3A_438 : vector<1x1xf32> to vector<256x1xf32>
    %add3A_440 = arith.addf %dot_general3A_435, %add3A_439 : vector<256x1xf32>
    %logistic3A = arith.negf %add3A_440 : vector<256x1xf32>
    %logistic3A_441 = math.exp %logistic3A : vector<256x1xf32>
    %logistic3A_442 = arith.constant 1.000000e+00 : f32
    %logistic3A_443 = vector.broadcast %logistic3A_442 : f32 to vector<256x1xf32>
    %logistic3A_444 = arith.addf %logistic3A_443, %logistic3A_441 : vector<256x1xf32>
    %logistic3A_445 = arith.divf %logistic3A_443, %logistic3A_444 : vector<256x1xf32>
    %swap3A = arith.constant 0 : index
    %swap3A_446 = arith.constant 0 : index
    %swap3A_447 = vector.load %arg13[%swap3A, %swap3A_446] : memref<256x1xf32, #tpu.memory_space<vmem>>, vector<256x1xf32>
    tpu.vector_store %arg13[%swap3A, %swap3A_446], %logistic3A_445 {strides = array<i32>} : memref<256x1xf32, #tpu.memory_space<vmem>>, vector<256x1xf32>,
    return
  }
  func.func @transform_0(%arg0: i32) -> (i32, i32) {
    %c0_i32 = arith.constant 0 : i32
    %c0_i32_0 = arith.constant 0 : i32
    return %arg0, %c0_i32 : i32, i32
  }
  func.func @transform_1(%arg0: i32) -> (i32, i32, i32) {
    %c0_i32 = arith.constant 0 : i32
    %c0_i32_0 = arith.constant 0 : i32
    %c0_i32_1 = arith.constant 0 : i32
    %c0_i32_2 = arith.constant 0 : i32
    return %c0_i32, %c0_i32_0, %c0_i32_1 : i32, i32, i32
  }
  func.func @transform_2(%arg0: i32) -> (i32, i32) {
    %c0_i32 = arith.constant 0 : i32
    %c0_i32_0 = arith.constant 0 : i32
    %c0_i32_1 = arith.constant 0 : i32
    return %c0_i32, %c0_i32_0 : i32, i32
  }
  func.func @transform_3(%arg0: i32) -> (i32, i32) {
    %c0_i32 = arith.constant 0 : i32
    %c0_i32_0 = arith.constant 0 : i32
    %c0_i32_1 = arith.constant 0 : i32
    return %c0_i32, %c0_i32_0 : i32, i32
  }
  func.func @transform_4(%arg0: i32) -> (i32, i32) {
    %c0_i32 = arith.constant 0 : i32
    %c0_i32_0 = arith.constant 0 : i32
    %c0_i32_1 = arith.constant 0 : i32
    return %c0_i32, %c0_i32_0 : i32, i32
  }
  func.func @transform_5(%arg0: i32) -> (i32, i32) {
    %c0_i32 = arith.constant 0 : i32
    %c0_i32_0 = arith.constant 0 : i32
    %c0_i32_1 = arith.constant 0 : i32
    return %c0_i32, %c0_i32_0 : i32, i32
  }
  func.func @transform_6(%arg0: i32) -> (i32, i32) {
    %c0_i32 = arith.constant 0 : i32
    %c0_i32_0 = arith.constant 0 : i32
    %c0_i32_1 = arith.constant 0 : i32
    return %c0_i32, %c0_i32_0 : i32, i32
  }
  func.func @transform_7(%arg0: i32) -> (i32, i32) {
    %c0_i32 = arith.constant 0 : i32
    %c0_i32_0 = arith.constant 0 : i32
    %c0_i32_1 = arith.constant 0 : i32
    return %c0_i32, %c0_i32_0 : i32, i32
  }
  func.func @transform_8(%arg0: i32) -> (i32, i32) {
    %c0_i32 = arith.constant 0 : i32
    %c0_i32_0 = arith.constant 0 : i32
    %c0_i32_1 = arith.constant 0 : i32
    return %c0_i32, %c0_i32_0 : i32, i32
  }
  func.func @transform_9(%arg0: i32) -> (i32, i32) {
    %c0_i32 = arith.constant 0 : i32
    %c0_i32_0 = arith.constant 0 : i32
    %c0_i32_1 = arith.constant 0 : i32
    return %c0_i32, %c0_i32_0 : i32, i32
  }
  func.func @transform_10(%arg0: i32) -> (i32, i32) {
    %c0_i32 = arith.constant 0 : i32
    %c0_i32_0 = arith.constant 0 : i32
    %c0_i32_1 = arith.constant 0 : i32
    return %c0_i32, %c0_i32_0 : i32, i32
  }
  func.func @transform_11(%arg0: i32) -> (i32, i32) {
    %c0_i32 = arith.constant 0 : i32
    %c0_i32_0 = arith.constant 0 : i32
    %c0_i32_1 = arith.constant 0 : i32
    return %c0_i32, %c0_i32_0 : i32, i32
  }
  func.func @transform_12(%arg0: i32) -> (i32, i32) {
    %c0_i32 = arith.constant 0 : i32
    %c0_i32_0 = arith.constant 0 : i32
    return %arg0, %c0_i32 : i32, i32
  }
}

</mosaic_0001>

<sc_bundles>
// kernel: kernel.4.cloned.1.call-start
scs
__scs_entry_jumppad:
0x0: {  	(pc) =	sbr.rel $0x88, $3  }
0x1: {  	(tag) =	ssettag $0x0;
	lr =	simm.s32 $0x1  }
0x2: {  	[smem:$0x3F96] =	sst lr;
	_ =	strace $0xD0000000  }
0x3: {  	_ = 	snop  }
0x4: {  	_ = 	snop  }
0x5: {  	_ = 	snop  }
0x6: {  	_ = 	snop  }
0x7: {  	_ = 	snop  }
__scs_overlays_trampoline_lowered:
0x8: {  	[smem:$0x3FA5] =	sst s0  }
0x9: {  	[smem:$0x3FA6] =	sst s1  }
0xa: {  	[smem:$0x3FA7] =	sst s2  }
0xb: {  	[smem:$0x3FA8] =	sst s3  }
0xc: {  	[smem:$0x3FA9] =	sst s4  }
0xd: {  	[smem:$0x3FAA] =	sst s5  }
0xe: {  	[smem:$0x3FAB] =	sst s6  }
0xf: {  	[smem:$0x3FAC] =	sst s7  }
0x10: {  	[smem:$0x3FAD] =	sst s8  }
0x11: {  	[smem:$0x3FAE] =	sst s9;
	s0 =	simm.s32 @!p0 $0x0  }
0x12: {  	s1 =	sld [smem:$0x3F94];
	s0 =	simm.s32 @p0 $0x1  }
0x13: {  	[smem:$0x3FAF] =	sst s0;
	s0 =	simm.s32 @!p1 $0x0  }
0x14: {  	s2 =	sld [smem:$0x3F93];
	s0 =	simm.s32 @p1 $0x1  }
0x15: {  	[smem:$0x3FB0] =	sst s0;
	s0 =	simm.s32 @!p2 $0x0  }
0x16: {  	s3 =	sld [smem:$0x3FDB];
	s0 =	simm.s32 @p2 $0x1  }
0x17: {  	s4 =	simm.s32 $0x1BF5;
	[smem:$0x3FB2] =	sst s0  }
0x18: {  	s0 =	sld [smem:$0x3F95];
	_ =	swait.ge [sflag:s4], $0x0  }
0x19: {  	s7 =	sld [smem:$0x3F96]  }
0x1a: {  	s8 =	sadd.s32 $0xFFFFE003, lr  }
0x1b: {  	s9 =	sadd.s32 $0xFFFFFEF7, lr;
	s5 =	simm.s32 $0xFFFFFFFF;
	p2 =	slt.u32 s8, $0xFFFFF086  }
0x1c: {  	p1 =	slt.u32 s9, $0xF7A;
	s5 =	simm.s32 @!p2 $0x0  }
0x1d: {  	s5 =	simm.s32 @p1 $0x1;
	p0 =	seq.s32 s7, s2  }
0x1e: {  	s7 =	smul.u32 @!p0 $0xF7A, s2;
	p2 =	seq.s32 @!p0 s5, $0x0  }
0x1f: {  	s9 =	smul.u32 $0xF7A, s1;
	s8 =	simm.s32 @!p0 $0x1BF5;
	p2 =	por !p2, p0  }
0x20: {  	[sflag:s8] =	ssyncset.s32 @!p0 $0xFFFFF086;
	s6 =	sadd.s32 @!p0 s3, s7;
	s7 =	simm.s32 @!p0 $0x108  }
0x21: {  	s3 =	sadd.s32 s3, s9;
	s6 =	sadd.s32 @!p0 $0x88, s6;
	s7 =	simm.s32 @p2 $0x1082  }
0x22: {  	[simem:s7], [sflag:s8] =	dma.local @!p0 [hbm:s6], $0xF7A  }
0x23: {  	s9 =	sor.u32 $0xD0000000, s2;
	s6 =	simm.s32 $0x108;
	_ =	swait.ge @!p0 [sflag:s8], $0x0  }
0x24: {  	s3 =	sadd.s32 $0x88, s3;
	s6 =	simm.s32 @!p1 $0x1082;
	[sflag:s4] =	ssyncset.s32 $0xFFFFF086  }
0x25: {  	[simem:s6], [sflag:s4] =	dma.local [hbm:s3], $0xF7A  }
0x26: {  	[smem:$0x3F96] =	sst s1;
	(tag) =	ssettag s2;
	_ =	strace s9  }
0x27: {  	s1 =	sld [smem:$0x3FA6]  }
0x28: {  	s2 =	sld [smem:$0x3FA7]  }
0x29: {  	s4 =	sld [smem:$0x3FA9]  }
0x2a: {  	p0 =	seq.s32 s5, $0x0;
	s5 =	sld [smem:$0x3FAA]  }
0x2b: {  	s6 =	sld [smem:$0x3FAB]  }
0x2c: {  	s7 =	sld [smem:$0x3FAC]  }
0x2d: {  	s3 =	simm.s32 $0x108;
	s8 =	sld [smem:$0x3FAD]  }
0x2e: {  	s3 =	simm.s32 @!p0 $0x1082;
	s9 =	sld [smem:$0x3FAE]  }
0x2f: {  	lr =	sadd.s32 s0, s3;
	s0 =	sld [smem:$0x3FA5]  }
0x30: {  	s3 =	sld [smem:$0x3FA8]  }
0x31: {  	[smem:$0x3FB1] =	sst s10  }
0x32: {  	s10 =	sld [smem:$0x3FAF];
	_ =	sdelay $0x3  }
0x33: {  	p0 =	seq.s32 s10, $0x1;
	s10 =	sld [smem:$0x3FB1];
	_ =	sdelay $0x3  }
0x34: {  	[smem:$0x3FB1] =	sst s10  }
0x35: {  	s10 =	sld [smem:$0x3FB0];
	_ =	sdelay $0x3  }
0x36: {  	p1 =	seq.s32 s10, $0x1;
	s10 =	sld [smem:$0x3FB1];
	_ =	sdelay $0x3  }
0x37: {  	[smem:$0x3FB1] =	sst s10  }
0x38: {  	s10 =	sld [smem:$0x3FB2]  }
0x39: {  	_ = 	snop;
	(pc) =	sbr.ind lr, $3  }
0x3a: {  	_ = 	snop  }
0x3b: {  	_ = 	snop  }
0x3c: {  	p2 =	seq.s32 s10, $0x1;
	s10 =	sld [smem:$0x3FB1]  }
0x3d: {  	_ =	shalt  }
0x3e: {  	_ =	shalt  }
0x3f: {  	_ =	shalt  }
0x40: {  	_ =	shalt  }
0x41: {  	_ =	shalt  }
0x42: {  	_ =	shalt  }
0x43: {  	_ =	shalt  }
0x44: {  	_ =	shalt  }
0x45: {  	_ =	shalt  }
0x46: {  	_ =	shalt  }
0x47: {  	_ =	shalt  }
0x48: {  	_ =	shalt  }
0x49: {  	_ =	shalt  }
0x4a: {  	_ =	shalt  }
0x4b: {  	_ =	shalt  }
0x4c: {  	_ =	shalt  }
0x4d: {  	_ =	shalt  }
0x4e: {  	_ =	shalt  }
0x4f: {  	_ =	shalt  }
0x50: {  	_ =	shalt  }
0x51: {  	_ =	shalt  }
0x52: {  	_ =	shalt  }
0x53: {  	_ =	shalt  }
0x54: {  	_ =	shalt  }
0x55: {  	_ =	shalt  }
0x56: {  	_ =	shalt  }
0x57: {  	_ =	shalt  }
0x58: {  	_ =	shalt  }
0x59: {  	_ =	shalt  }
0x5a: {  	_ =	shalt  }
0x5b: {  	_ =	shalt  }
0x5c: {  	_ =	shalt  }
0x5d: {  	_ =	shalt  }
0x5e: {  	_ =	shalt  }
0x5f: {  	_ =	shalt  }
0x60: {  	_ =	shalt  }
0x61: {  	_ =	shalt  }
0x62: {  	_ =	shalt  }
0x63: {  	_ =	shalt  }
0x64: {  	_ =	shalt  }
0x65: {  	_ =	shalt  }
0x66: {  	_ =	shalt  }
0x67: {  	_ =	shalt  }
0x68: {  	_ =	shalt  }
0x69: {  	_ =	shalt  }
0x6a: {  	_ =	shalt  }
0x6b: {  	_ =	shalt  }
0x6c: {  	_ =	shalt  }
0x6d: {  	_ =	shalt  }
0x6e: {  	_ =	shalt  }
0x6f: {  	_ =	shalt  }
0x70: {  	_ =	shalt  }
0x71: {  	_ =	shalt  }
0x72: {  	_ =	shalt  }
0x73: {  	_ =	shalt  }
0x74: {  	_ =	shalt  }
0x75: {  	_ =	shalt  }
0x76: {  	_ =	shalt  }
0x77: {  	_ =	shalt  }
0x78: {  	_ =	shalt  }
0x79: {  	_ =	shalt  }
0x7a: {  	_ =	shalt  }
0x7b: {  	_ =	shalt  }
0x7c: {  	_ =	shalt  }
0x7d: {  	_ =	shalt  }
0x7e: {  	_ =	shalt  }
0x7f: {  	_ =	shalt  }
0x80: {  	_ =	shalt  }
0x81: {  	_ =	shalt  }
0x82: {  	_ =	shalt  }
0x83: {  	_ =	shalt  }
0x84: {  	_ =	shalt  }
0x85: {  	_ =	shalt  }
0x86: {  	_ =	shalt  }
0x87: {  	_ =	shalt  }
.Lfunc_end0:
.L_simem_size_0:
called_computation_lowered:
.L_overlay_start_0:
0x88: {  	s2 =	sld [smem:$0x3FD9]  }
0x89: {  	s3 =	sld [smem:$0x3FFE];
	_ =	sdelay $0x1  }
0x8a: {  	s1 =	srdreg.scid  }
0x8b: {  	s0 =	sand.u32 $0x1, s1  }
0x8c: {  	s16 =	sshll.u32 s0, $0xA;
	s2 =	sadd.s32 s3, s2  }
0x8d: {  	s2 =	sadd.s32 s2, s16  }
0x8e: {  	[smem:$0x3FBD] =	sst s2  }
0x8f: {  	_ = 	snop  }
0x90: {  	(tm) =	ssettm $0x1  }
0x91: {  	s17 =	sld [smem:$0x3FFB];
	_ =	sdelay $0x3  }
0x92: {  	_ =	strace s17  }
0x93: {  	s2 =	sld [smem:$0x3FFC];
	_ =	sdelay $0x3  }
0x94: {  	_ =	strace s2  }
0x95: {  	s2 =	sld [smem:$0x3FFD];
	_ =	sdelay $0x3  }
0x96: {  	_ =	strace s2  }
0x97: {  	_ =	strace $0x8FFFFFFF  }
0x98: {  	s18 =	sld [smem:$0x3FDB];
	_ =	sdelay $0x1  }
0x99: {  	s19 =	simm.s32 $_scs_section_size  }
0x9a: {  	s4 =	simm.s32 $_size__tile_overlayer_lowered;
	s5 =	simm.s32 $_tile_overlayer_lowered  }
0x9b: {  	s22 =	simm.s32 $0x1BFF;
	s21 =	sshll.u32 s5, $0x1;
	s2 =	sadd.s32 s19, s18  }
0x9c: {  	s6 =	simm.s32 $0x0;
	s20 =	sshll.u32 s4, $0x1;
	s4 =	sadd.s32 s21, s2  }
0x9d: {  	[timem:s6], [sflag:s22] =	dma.local [hbm:s4], s20  }
0x9e: {  	_ =	swait.ge [sflag:s22], s20  }
0x9f: {  	s3 =	ssub.s32 $0x0, s20;
	[sflag:s22] =	ssyncset.done $0x0  }
0xa0: {  	[sflag:s22] =	ssyncadd.s32 s3;
	_ =	sdelay $0x1  }
0xa1: {  	s23 =	simm.s32 $0x1B8B  }
0xa2: {  	_ =	swait.ge [sflag:s23], $0x1  }
0xa3: {  	[sflag:s23] =	ssyncset.done $0x0  }
0xa4: {  	s25 =	simm.s32 $0x1B8E;
	s24 =	sld [smem:$0x3FFE];
	[sflag:s23] =	ssyncadd.s32 $0xFFFFFFFF  }
0xa5: {  	s26 =	simm.s32 $execute0_lowered;
	[smem:$0x3FD2] =	sst s25  }
0xa6: {  	s4 =	sshll.u32 s26, $0x1;
	_ =	strace $0x80000046;
	[dreg:$0x1] =	wrdreg $0xFFFFFFFF  }
0xa7: {  	s28 =	simm.s32 $_size_execute0_lowered;
	s2 =	sadd.s32 s2, s4;
	[dreg:$0x0] =	wrdreg $0x0  }
0xa8: {  	s4 =	sshll.u32 s28, $0x1;
	[dreg:$0x2] =	wrdreg s2  }
0xa9: {  	[dreg:$0x3] =	wrdreg s4  }
0xaa: {  	[dreg:$0x4] =	wrdreg $0xC0  }
0xab: {  	_ =	task [dreg:s6], $0x5FFFF  }
0xac: {  	[dreg:$0x1] =	wrdreg $0xFFFFFFFF  }
0xad: {  	[dreg:$0x0] =	wrdreg $0x60  }
0xae: {  	[dreg:$0x2] =	wrdreg s24  }
0xaf: {  	[dreg:$0x3] =	wrdreg $0x9  }
0xb0: {  	_ =	task.clear_ibuf [dreg:s6], $0x4FFFF;
	_ =	strace $0x90000046  }
0xb1: {  	s29 =	simm.s32 $0x9;
	_ =	strace $0x80000048  }
0xb2: {  	_ =	swait.ge [sflag:s29], $0x1  }
0xb3: {  	[sflag:s29] =	ssyncadd.s32 $0xFFFFFFFF  }
0xb4: {  	_ =	strace $0x90000048  }
0xb5: {  	_ =	sfence  }
0xb6: {  	s30 =	sld [smem:$0x0];
	_ =	sdelay $0x2  }
0xb7: {  	s31 =	sshll.u32 s1, $0xD;
	s1 =	sshrl.u32 s1, $0x2  }
0xb8: {  	s3 =	sand.u32 $0x4000, s31;
	s1 =	sadd.s32 s1, s30  }
0xb9: {  	s0 =	sor.u32 s3, s0;
	s1 =	sshll.u32 s1, $0x11  }
0xba: {  	s0 =	sor.u32 s1, s0  }
0xbb: {  	s0 =	sadd.s32 $0x8F2B, s0  }
0xbc: {  	[sflag:s0] =	ssyncadd.remote.s32 $0x1  }
0xbd: {  	_ =	sfence.sel $0xFFFF  }
0xbe: {  	[dreg:$0x0] =	wrdreg $0xFFFFFFFF;
	(pc) =	sbr.abs _section_cstart, $3  }
0xbf: {  	[dreg:$0x1] =	wrdreg $0xFFFFFFFF  }
0xc0: {  	_ =	task.clear_ibuf [dreg:s6], $0x2FFFF;
	_ =	strace $0x9FFFFFFF  }
0xc1: {  	(tm) =	ssettm $0x7FFFFFFF  }
tec
execute0_lowered:
.L_overlay_start_1:
0x0: {  	(tag) =	ssettag $0x1  }
0x1: {  	s1 =	srdreg.scid;
	s0 =	stileid.u32  }
0x2: {  	s23 =	sand.u32 $0x1, s1;
	s31 =	sshll.u32 s0, $0x1  }
0x3: {  	s24 =	sor.u32 s23, s31  }
0x4: {  	s22 =	rddreg [dreg:$0x0];
	s3 =	smul.u32 $0x68, s24  }
0x5: {  	s2 =	simm.s32 $0x0;
	s1 =	rddreg [dreg:$0x1]  }
0x6: {  	[smem:$0x7FF] =	sst s2;
	s3 =	sadd.s32 s3, s22  }
0x7: {  	_ =	strace $0x80000047;
	s4 =	sadd.s32 $0x1E00, s3;
	s3 =	simm.s32 $0x2  }
0x8: {  	[tilespmem:s2], [sflag:$0x2] =	stream.linear.gather [hbm4b:s4+s2], $0x340, $0x38;
	[tilespmem:$0x3740] =	vst v63  }
0x9: {  	_ =	swait.ge [sflag:s3], $0x340  }
0xa: {  	s6 =	simm.s32 $0x68;
	[sflag:s3] =	ssyncset.done $0x0  }
0xb: {  	s7 =	simm.s32 $0x340;
	s5 =	sadd.s32 $0x27AE200, s22;
	[sflag:s3] =	ssyncadd.s32 $0xFFFFFCC0  }
0xc: {  	[tilespmem:s7], [sflag:$0x1] =	stream.indirect.gather [hbm4b:s5+s6], $0x10, s2, s6, $0xb8;
	[tilespmem:$0x3740] =	vst v63  }
0xd: {  	s8 =	simm.s32 $0x9C0  }
0xe: {  	[tilespmem:s8], [sflag:$0x1] =	stream.indirect.gather [hbm4b:s5+s6], $0x10, s6, s6, $0xb8;
	[tilespmem:$0x3740] =	vst v63  }
0xf: {  	s9 =	simm.s32 $0xD0;
	s10 =	simm.s32 $0x1040  }
0x10: {  	[tilespmem:s10], [sflag:$0x1] =	stream.indirect.gather [hbm4b:s5+s6], $0x10, s9, s6, $0xb8;
	[tilespmem:$0x3740] =	vst v63  }
0x11: {  	s11 =	simm.s32 $0x138;
	s12 =	simm.s32 $0x16C0  }
0x12: {  	[tilespmem:s12], [sflag:$0x1] =	stream.indirect.gather [hbm4b:s5+s6], $0x10, s11, s6, $0xb8;
	[tilespmem:$0x3740] =	vst v63  }
0x13: {  	s13 =	simm.s32 $0x1A0;
	s14 =	simm.s32 $0x1D40  }
0x14: {  	[tilespmem:s14], [sflag:$0x1] =	stream.indirect.gather [hbm4b:s5+s6], $0x10, s13, s6, $0xb8;
	[tilespmem:$0x3740] =	vst v63  }
0x15: {  	s15 =	simm.s32 $0x208;
	s16 =	simm.s32 $0x23C0  }
0x16: {  	[tilespmem:s16], [sflag:$0x1] =	stream.indirect.gather [hbm4b:s5+s6], $0x10, s15, s6, $0xb8;
	[tilespmem:$0x3740] =	vst v63  }
0x17: {  	s17 =	simm.s32 $0x270;
	s18 =	simm.s32 $0x2A40  }
0x18: {  	[tilespmem:s18], [sflag:$0x1] =	stream.indirect.gather [hbm4b:s5+s6], $0x10, s17, s6, $0xb8;
	[tilespmem:$0x3740] =	vst v63  }
0x19: {  	s19 =	simm.s32 $0x2D8;
	s20 =	simm.s32 $0x30C0;
	s21 =	simm.s32 $0x1  }
0x1a: {  	[tilespmem:s20], [sflag:$0x1] =	stream.indirect.gather [hbm4b:s5+s6], $0x10, s19, s6, $0xb8;
	[tilespmem:$0x3740] =	vst v63  }
0x1b: {  	_ =	swait.ge [sflag:s21], $0x680  }
0x1c: {  	[sflag:s21] =	ssyncset.done $0x0  }
0x1d: {  	[sflag:s21] =	ssyncadd.s32 $0xFFFFF980  }
0x1e: {  	_ =	swait.ge [sflag:s21], $0x680  }
0x1f: {  	[sflag:s21] =	ssyncset.done $0x0  }
0x20: {  	[sflag:s21] =	ssyncadd.s32 $0xFFFFF980  }
0x21: {  	_ =	swait.ge [sflag:s21], $0x680  }
0x22: {  	[sflag:s21] =	ssyncset.done $0x0  }
0x23: {  	[sflag:s21] =	ssyncadd.s32 $0xFFFFF980  }
0x24: {  	_ =	swait.ge [sflag:s21], $0x680  }
0x25: {  	[sflag:s21] =	ssyncset.done $0x0  }
0x26: {  	[sflag:s21] =	ssyncadd.s32 $0xFFFFF980  }
0x27: {  	_ =	swait.ge [sflag:s21], $0x680  }
0x28: {  	[sflag:s21] =	ssyncset.done $0x0  }
0x29: {  	[sflag:s21] =	ssyncadd.s32 $0xFFFFF980  }
0x2a: {  	_ =	swait.ge [sflag:s21], $0x680  }
0x2b: {  	[sflag:s21] =	ssyncset.done $0x0  }
0x2c: {  	s23 =	ssub.s32 $0x2, s23;
	[sflag:s21] =	ssyncadd.s32 $0xFFFFF980  }
0x2d: {  	s25 =	sshrl.u32 s23, $0x1;
	_ =	swait.ge [sflag:s21], $0x680  }
0x2e: {  	s23 =	ssub.s32 s23, s25;
	[sflag:s21] =	ssyncset.done $0x0  }
0x2f: {  	s24 =	smul.u32 $0x680, s24;
	s23 =	smax.u32 s23, $0x1;
	[sflag:s21] =	ssyncadd.s32 $0xFFFFF980  }
0x30: {  	p0 =	sne.s32 s23, $0x1;
	_ =	swait.ge [sflag:s21], $0x680  }
.Ltmp0:
0x31: {  	s22 =	sadd.s32 s24, s22;
	[sflag:s21] =	ssyncset.done $0x0;
	(pc) =	sbr.rel @!p0 .LBB2_2-.Ltmp0, $4  }
0x32: {  	s22 =	sadd.s32 $0x2C00, s22;
	[sflag:s21] =	ssyncadd.s32 $0xFFFFF980  }
0x33: {  	[hbm4b:s22+s2] =	stream.linear.scatter [tilespmem:s7], [sflag:$0x2], $0x3400, $0x38;
	[tilespmem:$0x3740] =	vst v63  }
0x34: {  	_ =	swait.ge [sflag:s3], $0x3400  }
0x35: {  	s23 =	sadd.s32 $0xFFFFFFFF, s23;
	[sflag:s3] =	ssyncset.done $0x0  }
.LBB2_1:
0x36: {  	p0 =	sne.s32 s23, $0x1;
	s23 =	sadd.s32 $0xFFFFFFFF, s23;
	[sflag:s3] =	ssyncadd.s32 $0xFFFFCC00  }
0x37: {  	[tilespmem:s2], [sflag:$0x2] =	stream.linear.gather [hbm4b:s4+s2], $0x340, $0x38;
	[tilespmem:$0x3740] =	vst v63  }
0x38: {  	_ =	swait.ge [sflag:s3], $0x340  }
0x39: {  	[sflag:s3] =	ssyncset.done $0x0  }
0x3a: {  	[sflag:s3] =	ssyncadd.s32 $0xFFFFFCC0  }
0x3b: {  	[tilespmem:s7], [sflag:$0x1] =	stream.indirect.gather [hbm4b:s5+s6], $0x10, s2, s6, $0xb8;
	[tilespmem:$0x3740] =	vst v63  }
0x3c: {  	_ = 	snop  }
0x3d: {  	[tilespmem:s8], [sflag:$0x1] =	stream.indirect.gather [hbm4b:s5+s6], $0x10, s6, s6, $0xb8;
	[tilespmem:$0x3740] =	vst v63  }
0x3e: {  	_ = 	snop  }
0x3f: {  	[tilespmem:s10], [sflag:$0x1] =	stream.indirect.gather [hbm4b:s5+s6], $0x10, s9, s6, $0xb8;
	[tilespmem:$0x3740] =	vst v63  }
0x40: {  	_ = 	snop  }
0x41: {  	[tilespmem:s12], [sflag:$0x1] =	stream.indirect.gather [hbm4b:s5+s6], $0x10, s11, s6, $0xb8;
	[tilespmem:$0x3740] =	vst v63  }
0x42: {  	_ = 	snop  }
0x43: {  	[tilespmem:s14], [sflag:$0x1] =	stream.indirect.gather [hbm4b:s5+s6], $0x10, s13, s6, $0xb8;
	[tilespmem:$0x3740] =	vst v63  }
0x44: {  	_ = 	snop  }
0x45: {  	[tilespmem:s16], [sflag:$0x1] =	stream.indirect.gather [hbm4b:s5+s6], $0x10, s15, s6, $0xb8;
	[tilespmem:$0x3740] =	vst v63  }
0x46: {  	_ = 	snop  }
0x47: {  	[tilespmem:s18], [sflag:$0x1] =	stream.indirect.gather [hbm4b:s5+s6], $0x10, s17, s6, $0xb8;
	[tilespmem:$0x3740] =	vst v63  }
0x48: {  	_ = 	snop  }
0x49: {  	[tilespmem:s20], [sflag:$0x1] =	stream.indirect.gather [hbm4b:s5+s6], $0x10, s19, s6, $0xb8;
	[tilespmem:$0x3740] =	vst v63  }
0x4a: {  	_ =	swait.ge [sflag:s21], $0x680  }
0x4b: {  	[sflag:s21] =	ssyncset.done $0x0  }
0x4c: {  	[sflag:s21] =	ssyncadd.s32 $0xFFFFF980  }
0x4d: {  	_ =	swait.ge [sflag:s21], $0x680  }
0x4e: {  	[sflag:s21] =	ssyncset.done $0x0  }
0x4f: {  	[sflag:s21] =	ssyncadd.s32 $0xFFFFF980  }
0x50: {  	_ =	swait.ge [sflag:s21], $0x680  }
0x51: {  	[sflag:s21] =	ssyncset.done $0x0  }
0x52: {  	[sflag:s21] =	ssyncadd.s32 $0xFFFFF980  }
0x53: {  	_ =	swait.ge [sflag:s21], $0x680  }
0x54: {  	[sflag:s21] =	ssyncset.done $0x0  }
0x55: {  	[sflag:s21] =	ssyncadd.s32 $0xFFFFF980  }
0x56: {  	_ =	swait.ge [sflag:s21], $0x680  }
0x57: {  	[sflag:s21] =	ssyncset.done $0x0  }
0x58: {  	[sflag:s21] =	ssyncadd.s32 $0xFFFFF980  }
0x59: {  	_ =	swait.ge [sflag:s21], $0x680  }
0x5a: {  	[sflag:s21] =	ssyncset.done $0x0  }
0x5b: {  	[sflag:s21] =	ssyncadd.s32 $0xFFFFF980  }
0x5c: {  	_ =	swait.ge [sflag:s21], $0x680  }
0x5d: {  	[sflag:s21] =	ssyncset.done $0x0  }
0x5e: {  	[sflag:s21] =	ssyncadd.s32 $0xFFFFF980  }
0x5f: {  	_ =	swait.ge [sflag:s21], $0x680  }
.Ltmp1:
0x60: {  	[sflag:s21] =	ssyncset.done $0x0;
	(pc) =	sbr.rel @p0 .LBB2_1-.Ltmp1, $4  }
0x61: {  	[sflag:s21] =	ssyncadd.s32 $0xFFFFF980  }
0x62: {  	[hbm4b:s22+s2] =	stream.linear.scatter [tilespmem:s7], [sflag:$0x2], $0x3400, $0x38;
	[tilespmem:$0x3740] =	vst v63  }
0x63: {  	_ =	swait.ge [sflag:s3], $0x3400  }
0x64: {  	[sflag:s3] =	ssyncset.done $0x0  }
.LBB2_2:
0x65: {  	[sflag:s3] =	ssyncadd.s32 $0xFFFFCC00  }
0x66: {  	_ =	sfence.sel $0x180000  }
0x67: {  	[bflag:$0x0] =	sbarrier.arrive $0xFFFF  }
0x68: {  	p0 =	sne.s32 s0, $0x0;
	_ =	strace $0x90000047  }
0x69: {  	s0 =	sadd.s32 @!p0 $0x100000, s1;
	[bflag:$0x2] =	sbarrier.arrive $0xFFFF  }
0x6a: {  	[sflag:s0] =	ssyncadd.tile.s32 @!p0 $0x1;
	_ =	shalt  }
.Lfunc_end2:
_tile_overlayer_lowered:
.L_overlay_start_2:
0x6b: {  	(tag) =	ssettag $0x2  }
0x6c: {  	s0 =	rddreg [dreg:$0x0];
	s2 =	stileid.u32  }
0x6d: {  	s1 =	rddreg [dreg:$0x1];
	p0 =	sne.s32 s2, $0x0  }
0x6e: {  	s3 =	rddreg [dreg:$0x2];
	[bflag:$0x3] =	sbarrier.arrive $0xFFFF;
	s2 =	simm.s32 @!p0 $0x1C02  }
0x6f: {  	[timem:s3], [sflag:s2] =	dma.local @!p0 [hbm:s0], s1  }
0x70: {  	s0 =	simm.s32 @!p0 $0x2  }
0x71: {  	_ =	swait.ge @!p0 [sflag:s0], s1  }
0x72: {  	s1 =	ssub.s32 @!p0 $0x0, s1;
	[sflag:s0] =	ssyncset.done @!p0 $0x0  }
0x73: {  	[sflag:s0] =	ssyncadd.s32 @!p0 s1  }
0x74: {  	[bflag:$0x3] =	sbarrier.arrive $0xFFFF  }
0x75: {  	_ =	shalt  }

</sc_bundles>
